<compile_context>
chip_gen: v7x
topology: tpu7x:2x2x1
jax: 0.10.2.dev20260603
libtpu: 0.0.44.dev20260713+nightly
codegen_flags: <defaults>
</compile_context>

<pallas_src>
import functools

import jax
import jax.numpy as jnp
from jax import lax
from jax.experimental import pallas as pl
from jax.experimental.pallas import tpu as pltpu
from jax.experimental.pallas import tpu_sc as plsc

BATCH = 16
HW = 1024
IN_DIM = 192
CODE_DIM = 32
NUM_CODE = 8192
CHUNK = 1024
NCHUNK = NUM_CODE // CHUNK
BETA = 0.25

SC_CORES = 2
SC_SUBCORES = 16
SC_WORKERS = SC_CORES * SC_SUBCORES
TOKENS = BATCH * HW
B_PER_W = TOKENS // SC_WORKERS
GATHER_TILE = 128


def _quant_argmin_kernel(z_ref, wq_ref, bq_ref, emb_ref, zc_ref, idx_ref,
                         score_ref):
    zb = z_ref[0]
    zc = lax.dot_general(wq_ref[...], zb, (((1,), (0,)), ((), ())),
                         preferred_element_type=jnp.float32) + bq_ref[...]
    zc_ref[0] = zc

    zcb = zc.astype(jnp.bfloat16)
    tok2 = jnp.sum(zc * zc, axis=0, keepdims=True)
    sub8 = lax.broadcasted_iota(jnp.int32, (8, HW), 0).astype(jnp.float32)
    half_m = []
    half_i = []
    for h in range(2):
        run_m = jnp.full((1, HW), jnp.float32(jnp.inf))
        run_i = jnp.zeros((1, HW), jnp.int32)
        for cc in range(NCHUNK // 2):
            c = h * (NCHUNK // 2) + cc
            ech = emb_ref[pl.ds(c * CHUNK, CHUNK), :]
            en2 = jnp.sum(ech * ech, axis=1, keepdims=True)
            score_ref[...] = (tok2 + en2) - lax.dot_general(
                ech + ech, zcb, (((1,), (0,)), ((), ())),
                preferred_element_type=jnp.float32)

            def scan(v, carry):
                rv, rr = carry
                s_v = score_ref[pl.ds(pl.multiple_of(v * 8, 8), 8), :]
                rid = sub8 + lax.convert_element_type(v * 8, jnp.float32)
                lt = s_v < rv
                return (jnp.where(lt, s_v, rv), jnp.where(lt, rid, rr))
            rv, rr = lax.fori_loop(
                0, CHUNK // 8, scan,
                (jnp.full((8, HW), jnp.float32(jnp.inf)), jnp.zeros((8, HW))),
                unroll=8)
            for wdt in (4, 2, 1):
                av, bv = rv[:wdt], rv[wdt:2 * wdt]
                ar, br = rr[:wdt], rr[wdt:2 * wdt]
                keep = (av < bv) | ((av == bv) & (ar < br))
                rv = jnp.where(keep, av, bv)
                rr = jnp.where(keep, ar, br)
            cmin = rv
            cidx = rr.astype(jnp.int32) + jnp.int32(c * CHUNK)
            better = cmin < run_m
            run_m = jnp.where(better, cmin, run_m)
            run_i = jnp.where(better, cidx, run_i)
        half_m.append(run_m)
        half_i.append(run_i)
    b0 = half_m[0].astype(jnp.bfloat16).astype(jnp.float32)
    keep0 = (b0 < half_m[1]) | ((b0 == half_m[1]) & (half_i[0] < half_i[1]))
    idx_ref[0] = jnp.where(keep0, half_i[0], half_i[1])


def _sc_gather_kernel(emb_hbm, idx_hbm, out_hbm, idx_v, rows_v, sem):
    wid = lax.axis_index("s") * SC_CORES + lax.axis_index("c")
    base = wid * B_PER_W
    for j in range(B_PER_W // GATHER_TILE):
        off = base + j * GATHER_TILE
        pltpu.sync_copy(idx_hbm.at[pl.ds(off, GATHER_TILE)], idx_v)
        pltpu.async_copy(emb_hbm.at[idx_v], rows_v, sem).wait()
        pltpu.sync_copy(rows_v, out_hbm.at[pl.ds(off, GATHER_TILE)])


def _post_conv_kernel(zq_ref, zc_ref, wp_ref, bp_ref, out_ref, zqt_ref, loss_ref):
    b = pl.program_id(0)
    zqt = jnp.transpose(zq_ref[0], (1, 0))
    zqt_ref[0] = zqt
    out_ref[0] = lax.dot_general(wp_ref[...], zqt, (((1,), (0,)), ((), ())),
                                 preferred_element_type=jnp.float32) + bp_ref[...]
    diff = zqt - zc_ref[0]
    psum = jnp.sum(diff * diff).reshape(1, 1)
    total = jnp.where(b == 0, psum, loss_ref[...] + psum)
    scale = jnp.float32((1.0 + BETA) / (TOKENS * CODE_DIM))
    loss_ref[...] = jnp.where(b == BATCH - 1, total * scale, total)


@jax.jit
def _run(z, Wq, bq, Wp, bp, emb):
    z3 = z.reshape(BATCH, IN_DIM, HW)
    bq2 = bq.reshape(CODE_DIM, 1)
    bp2 = bp.reshape(IN_DIM, 1)

    zc3, idx3 = pl.pallas_call(
        _quant_argmin_kernel,
        grid=(BATCH,),
        in_specs=[
            pl.BlockSpec((1, IN_DIM, HW), lambda b: (b, 0, 0)),
            pl.BlockSpec((CODE_DIM, IN_DIM), lambda b: (0, 0)),
            pl.BlockSpec((CODE_DIM, 1), lambda b: (0, 0)),
            pl.BlockSpec((NUM_CODE, CODE_DIM), lambda b: (0, 0)),
        ],
        out_specs=[
            pl.BlockSpec((1, CODE_DIM, HW), lambda b: (b, 0, 0)),
            pl.BlockSpec((1, 1, HW), lambda b: (b, 0, 0)),
        ],
        out_shape=[
            jax.ShapeDtypeStruct((BATCH, CODE_DIM, HW), jnp.float32),
            jax.ShapeDtypeStruct((BATCH, 1, HW), jnp.int32),
        ],
        scratch_shapes=[pltpu.VMEM((CHUNK, HW), jnp.float32)],
    )(z3, Wq, bq2, emb)

    idx_flat = idx3.reshape(TOKENS)

    sc_gather = functools.partial(
        pl.kernel,
        mesh=plsc.VectorSubcoreMesh(core_axis_name="c", subcore_axis_name="s",
                                    num_cores=SC_CORES),
        out_type=jax.ShapeDtypeStruct((TOKENS, CODE_DIM), jnp.float32),
        compiler_params=pltpu.CompilerParams(use_tc_tiling_on_sc=False),
        scratch_types=[
            pltpu.VMEM((GATHER_TILE,), jnp.int32),
            pltpu.VMEM((GATHER_TILE, CODE_DIM), jnp.float32),
            pltpu.SemaphoreType.DMA,
        ],
    )(_sc_gather_kernel)
    zq_flat = sc_gather(emb, idx_flat)

    zq3 = zq_flat.reshape(BATCH, HW, CODE_DIM)
    out3, zqt3, loss11 = pl.pallas_call(
        _post_conv_kernel,
        grid=(BATCH,),
        in_specs=[
            pl.BlockSpec((1, HW, CODE_DIM), lambda b: (b, 0, 0)),
            pl.BlockSpec((1, CODE_DIM, HW), lambda b: (b, 0, 0)),
            pl.BlockSpec((IN_DIM, CODE_DIM), lambda b: (0, 0)),
            pl.BlockSpec((IN_DIM, 1), lambda b: (0, 0)),
        ],
        out_specs=[
            pl.BlockSpec((1, IN_DIM, HW), lambda b: (b, 0, 0)),
            pl.BlockSpec((1, CODE_DIM, HW), lambda b: (b, 0, 0)),
            pl.BlockSpec((1, 1), lambda b: (0, 0)),
        ],
        out_shape=[
            jax.ShapeDtypeStruct((BATCH, IN_DIM, HW), jnp.float32),
            jax.ShapeDtypeStruct((BATCH, CODE_DIM, HW), jnp.float32),
            jax.ShapeDtypeStruct((1, 1), jnp.float32),
        ],
    )(zq3, zc3, Wp, bp2)

    out = out3.reshape(BATCH, IN_DIM, 32, 32)
    z_conv = zc3.reshape(BATCH, CODE_DIM, 32, 32)
    z_quant_before_conv = zqt3.reshape(BATCH, CODE_DIM, 32, 32)
    return out, loss11.reshape(()), z_conv, z_quant_before_conv


def kernel(z, Wq, bq, Wp, bp, emb, iters):
    del iters
    return _run(z, Wq, bq, Wp, bp, emb)

# --- scband reference (transcript-rebuilt; emitter-appended) ---
"""Pipeline reference for scband-l2-vector-quantizer-kmeans-78408922956450 (READ-ONLY COPY).

The authoritative reference and input builder live on the scoring server;
editing this copy changes nothing except your own understanding.
"""

import jax, jax.numpy as jnp
import numpy as np

NUM_CODE = 8192
IN_DIM = 192
CODE_DIM = 32
BETA = 0.25

def setup_inputs(seed: int = 0) -> dict:
    key = jax.random.key(seed)
    ks = jax.random.split(key, 6)
    z = jax.random.normal(ks[0], (16, IN_DIM, 32, 32), dtype=jnp.float32)
    # quant_conv: Conv2d(in_dim, code_dim, 1) -> weight [code_dim, in_dim], bias [code_dim]
    Wq = jax.random.normal(ks[1], (CODE_DIM, IN_DIM), dtype=jnp.float32) * 0.05
    bq = jnp.zeros((CODE_DIM,), dtype=jnp.float32)
    # post_quant_conv: Conv2d(code_dim, in_dim, 1) -> weight [in_dim, code_dim], bias [in_dim]
    Wp = jax.random.normal(ks[2], (IN_DIM, CODE_DIM), dtype=jnp.float32) * 0.05
    bp = jnp.zeros((IN_DIM,), dtype=jnp.float32)
    # embedding initialized uniform(-1/num_code, 1/num_code)
    emb = jax.random.uniform(ks[3], (NUM_CODE, CODE_DIM), dtype=jnp.float32,
                             minval=-1.0 / NUM_CODE, maxval=1.0 / NUM_CODE)
    iters = 10000  # > warmup_iters and > reestimate_maxiters -> full quantization path (eval behavior)
    return {"z": z, "Wq": Wq, "bq": bq, "Wp": Wp, "bp": bp, "emb": emb, "iters": iters}

def reference(z, Wq, bq, Wp, bp, emb, iters):
    # quant_conv (1x1 conv == channel matmul)
    z_conv = jnp.einsum('bchw,dc->bdhw', z, Wq) + bq[None, :, None, None]
    # b c h w -> b h w c
    zc = jnp.transpose(z_conv, (0, 2, 3, 1))
    flat = zc.reshape(-1, CODE_DIM)
    # L2 distance to codebook
    distance = (jnp.sum(flat ** 2, axis=1, keepdims=True)
                + jnp.sum(emb ** 2, axis=1)
                - 2.0 * jnp.einsum('bc,dc->bd', flat, emb))
    min_encoding_indices = jnp.argmin(distance, axis=1)
    z_quant = jnp.take(emb, min_encoding_indices, axis=0).reshape(zc.shape)
    # codebook loss
    loss = (jnp.mean((jax.lax.stop_gradient(z_quant) - zc) ** 2)
            + BETA * jnp.mean((z_quant - jax.lax.stop_gradient(zc)) ** 2))
    # straight-through estimator
    z_quant_st = zc + jax.lax.stop_gradient(z_quant - zc)
    # b h w c -> b c h w
    z_quant_before_conv = jnp.transpose(z_quant_st, (0, 3, 1, 2))
    # post_quant_conv
    out = jnp.einsum('bchw,dc->bdhw', z_quant_before_conv, Wp) + bp[None, :, None, None]
    return (out, loss, z_conv, z_quant_before_conv)

if __name__ == "__main__":
    import jax
    _d = setup_inputs()
    print(jax.jit(kernel)(*tuple(_d.values())))

</pallas_src>

<mosaic_0001>
#map = affine_map<(d0, d1) -> (0, 0)>
#map1 = affine_map<(d0, d1) -> (0)>
module attributes {stable_mosaic.version = 14 : i64} {
  func.func @_sc_gather_kernel(%arg0: i32, %arg1: i32, %arg2: memref<8192x32xf32, #tpu.memory_space<hbm>>, %arg3: memref<16384xi32, #tpu.memory_space<hbm>>, %arg4: memref<16384x32xf32, #tpu.memory_space<hbm>>, %arg5: memref<128xi32, #tpu.memory_space<vmem>>, %arg6: memref<128x32xf32, #tpu.memory_space<vmem>>, %arg7: memref<!tpu.dma_semaphore, #tpu.memory_space<semaphore_mem>>) attributes {dimension_semantics = [#tpu.dimension_semantics<core_parallel>, #tpu.dimension_semantics<subcore_parallel>], iteration_bounds = array<i64: 2, 16>, scalar_prefetch = 0 : i64, scratch_operands = 3 : i64, tpu.core_type = #tpu.core_type<sc_vector_subcore>, window_params = [{transform_indices = #map}, {transform_indices = #map1}, {transform_indices = #map}]} {
    %mul3A = arith.constant 2 : i32
    %mul3A_0 = arith.muli %arg1, %mul3A : i32
    %add3A = arith.addi %mul3A_0, %arg0 : i32
    %mul3A_1 = arith.constant 512 : i32
    %mul3A_2 = arith.muli %add3A, %mul3A_1 : i32
    %add3A_3 = arith.constant 0 : i32
    %add3A_4 = arith.addi %mul3A_2, %add3A_3 : i32
    "tpu.region"() ({
      %run_scoped3A = tpu.sem_alloc : memref<!tpu.dma_semaphore, #tpu.memory_space<semaphore_mem>>
      %dma_start3A_33 = tpu.memref_slice %arg3[%add3A_4] : memref<16384xi32, #tpu.memory_space<hbm>> -> memref<128xi32, #tpu.memory_space<hbm>>
      %dma_start3A_34 = tpu.memref_slice %arg3[%add3A_4] : memref<16384xi32, #tpu.memory_space<hbm>> -> memref<128xi32, #tpu.memory_space<hbm>>
      tpu.enqueue_dma source(%dma_start3A_34 : memref<128xi32, #tpu.memory_space<hbm>>) target(%arg5 : memref<128xi32, #tpu.memory_space<vmem>>) target_semaphore(%run_scoped3A : memref<!tpu.dma_semaphore, #tpu.memory_space<semaphore_mem>>)
      %dma_wait3A_35 = tpu.memref_slice %arg3[%add3A_4] : memref<16384xi32, #tpu.memory_space<hbm>> -> memref<128xi32, #tpu.memory_space<hbm>>
      %dma_wait3A_36 = tpu.memref_slice %arg3[%add3A_4] : memref<16384xi32, #tpu.memory_space<hbm>> -> memref<128xi32, #tpu.memory_space<hbm>>
      tpu.wait_dma2 semaphore(%run_scoped3A : memref<!tpu.dma_semaphore, #tpu.memory_space<semaphore_mem>>) src(%dma_wait3A_36 : memref<128xi32, #tpu.memory_space<hbm>>) dst(%arg5 : memref<128xi32, #tpu.memory_space<vmem>>)
      tpu.yield
    }) : () -> ()
    %dma_start3A = arith.constant 0 : i32
    %dma_start3A_5 = arith.constant 0 : i32
    %dma_start3A_6 = tpu.memref_slice %arg2[%dma_start3A, %dma_start3A_5] : memref<8192x32xf32, #tpu.memory_space<hbm>> -> memref<8192x32xf32, #tpu.memory_space<hbm>>
    tpu.enqueue_indirect_dma source(%dma_start3A_6 : memref<8192x32xf32, #tpu.memory_space<hbm>>) target(%arg6 : memref<128x32xf32, #tpu.memory_space<vmem>>) offsets(%arg5 : memref<128xi32, #tpu.memory_space<vmem>>) semaphore(%arg7 : memref<!tpu.dma_semaphore, #tpu.memory_space<semaphore_mem>>)
    %dma_wait3A = arith.constant 0 : i32
    %dma_wait3A_7 = arith.constant 0 : i32
    %dma_wait3A_8 = tpu.memref_slice %arg2[%dma_wait3A, %dma_wait3A_7] : memref<8192x32xf32, #tpu.memory_space<hbm>> -> memref<8192x32xf32, #tpu.memory_space<hbm>>
    tpu.wait_indirect_dma semaphore(%arg7 : memref<!tpu.dma_semaphore, #tpu.memory_space<semaphore_mem>>) src(%dma_wait3A_8 : memref<8192x32xf32, #tpu.memory_space<hbm>>) dst(%arg6 : memref<128x32xf32, #tpu.memory_space<vmem>>)
    "tpu.region"() ({
      %run_scoped3A = tpu.sem_alloc : memref<!tpu.dma_semaphore, #tpu.memory_space<semaphore_mem>>
      %dma_start3A_33 = arith.constant 0 : i32
      %dma_start3A_34 = tpu.memref_slice %arg4[%add3A_4, %dma_start3A_33] : memref<16384x32xf32, #tpu.memory_space<hbm>> -> memref<128x32xf32, #tpu.memory_space<hbm>>
      %dma_start3A_35 = arith.constant 0 : i32
      %dma_start3A_36 = tpu.memref_slice %arg4[%add3A_4, %dma_start3A_35] : memref<16384x32xf32, #tpu.memory_space<hbm>> -> memref<128x32xf32, #tpu.memory_space<hbm>>
      tpu.enqueue_dma source(%arg6 : memref<128x32xf32, #tpu.memory_space<vmem>>) target(%dma_start3A_36 : memref<128x32xf32, #tpu.memory_space<hbm>>) target_semaphore(%run_scoped3A : memref<!tpu.dma_semaphore, #tpu.memory_space<semaphore_mem>>)
      %dma_wait3A_37 = arith.constant 0 : i32
      %dma_wait3A_38 = tpu.memref_slice %arg4[%add3A_4, %dma_wait3A_37] : memref<16384x32xf32, #tpu.memory_space<hbm>> -> memref<128x32xf32, #tpu.memory_space<hbm>>
      %dma_wait3A_39 = arith.constant 0 : i32
      %dma_wait3A_40 = tpu.memref_slice %arg4[%add3A_4, %dma_wait3A_39] : memref<16384x32xf32, #tpu.memory_space<hbm>> -> memref<128x32xf32, #tpu.memory_space<hbm>>
      tpu.wait_dma2 semaphore(%run_scoped3A : memref<!tpu.dma_semaphore, #tpu.memory_space<semaphore_mem>>) src(%arg6 : memref<128x32xf32, #tpu.memory_space<vmem>>) dst(%dma_wait3A_40 : memref<128x32xf32, #tpu.memory_space<hbm>>)
      tpu.yield
    }) : () -> ()
    %add3A_9 = arith.constant 128 : i32
    %add3A_10 = arith.addi %mul3A_2, %add3A_9 : i32
    "tpu.region"() ({
      %run_scoped3A = tpu.sem_alloc : memref<!tpu.dma_semaphore, #tpu.memory_space<semaphore_mem>>
      %dma_start3A_33 = tpu.memref_slice %arg3[%add3A_10] : memref<16384xi32, #tpu.memory_space<hbm>> -> memref<128xi32, #tpu.memory_space<hbm>>
      %dma_start3A_34 = tpu.memref_slice %arg3[%add3A_10] : memref<16384xi32, #tpu.memory_space<hbm>> -> memref<128xi32, #tpu.memory_space<hbm>>
      tpu.enqueue_dma source(%dma_start3A_34 : memref<128xi32, #tpu.memory_space<hbm>>) target(%arg5 : memref<128xi32, #tpu.memory_space<vmem>>) target_semaphore(%run_scoped3A : memref<!tpu.dma_semaphore, #tpu.memory_space<semaphore_mem>>)
      %dma_wait3A_35 = tpu.memref_slice %arg3[%add3A_10] : memref<16384xi32, #tpu.memory_space<hbm>> -> memref<128xi32, #tpu.memory_space<hbm>>
      %dma_wait3A_36 = tpu.memref_slice %arg3[%add3A_10] : memref<16384xi32, #tpu.memory_space<hbm>> -> memref<128xi32, #tpu.memory_space<hbm>>
      tpu.wait_dma2 semaphore(%run_scoped3A : memref<!tpu.dma_semaphore, #tpu.memory_space<semaphore_mem>>) src(%dma_wait3A_36 : memref<128xi32, #tpu.memory_space<hbm>>) dst(%arg5 : memref<128xi32, #tpu.memory_space<vmem>>)
      tpu.yield
    }) : () -> ()
    %dma_start3A_11 = arith.constant 0 : i32
    %dma_start3A_12 = arith.constant 0 : i32
    %dma_start3A_13 = tpu.memref_slice %arg2[%dma_start3A_11, %dma_start3A_12] : memref<8192x32xf32, #tpu.memory_space<hbm>> -> memref<8192x32xf32, #tpu.memory_space<hbm>>
    tpu.enqueue_indirect_dma source(%dma_start3A_13 : memref<8192x32xf32, #tpu.memory_space<hbm>>) target(%arg6 : memref<128x32xf32, #tpu.memory_space<vmem>>) offsets(%arg5 : memref<128xi32, #tpu.memory_space<vmem>>) semaphore(%arg7 : memref<!tpu.dma_semaphore, #tpu.memory_space<semaphore_mem>>)
    %dma_wait3A_14 = arith.constant 0 : i32
    %dma_wait3A_15 = arith.constant 0 : i32
    %dma_wait3A_16 = tpu.memref_slice %arg2[%dma_wait3A_14, %dma_wait3A_15] : memref<8192x32xf32, #tpu.memory_space<hbm>> -> memref<8192x32xf32, #tpu.memory_space<hbm>>
    tpu.wait_indirect_dma semaphore(%arg7 : memref<!tpu.dma_semaphore, #tpu.memory_space<semaphore_mem>>) src(%dma_wait3A_16 : memref<8192x32xf32, #tpu.memory_space<hbm>>) dst(%arg6 : memref<128x32xf32, #tpu.memory_space<vmem>>)
    "tpu.region"() ({
      %run_scoped3A = tpu.sem_alloc : memref<!tpu.dma_semaphore, #tpu.memory_space<semaphore_mem>>
      %dma_start3A_33 = arith.constant 0 : i32
      %dma_start3A_34 = tpu.memref_slice %arg4[%add3A_10, %dma_start3A_33] : memref<16384x32xf32, #tpu.memory_space<hbm>> -> memref<128x32xf32, #tpu.memory_space<hbm>>
      %dma_start3A_35 = arith.constant 0 : i32
      %dma_start3A_36 = tpu.memref_slice %arg4[%add3A_10, %dma_start3A_35] : memref<16384x32xf32, #tpu.memory_space<hbm>> -> memref<128x32xf32, #tpu.memory_space<hbm>>
      tpu.enqueue_dma source(%arg6 : memref<128x32xf32, #tpu.memory_space<vmem>>) target(%dma_start3A_36 : memref<128x32xf32, #tpu.memory_space<hbm>>) target_semaphore(%run_scoped3A : memref<!tpu.dma_semaphore, #tpu.memory_space<semaphore_mem>>)
      %dma_wait3A_37 = arith.constant 0 : i32
      %dma_wait3A_38 = tpu.memref_slice %arg4[%add3A_10, %dma_wait3A_37] : memref<16384x32xf32, #tpu.memory_space<hbm>> -> memref<128x32xf32, #tpu.memory_space<hbm>>
      %dma_wait3A_39 = arith.constant 0 : i32
      %dma_wait3A_40 = tpu.memref_slice %arg4[%add3A_10, %dma_wait3A_39] : memref<16384x32xf32, #tpu.memory_space<hbm>> -> memref<128x32xf32, #tpu.memory_space<hbm>>
      tpu.wait_dma2 semaphore(%run_scoped3A : memref<!tpu.dma_semaphore, #tpu.memory_space<semaphore_mem>>) src(%arg6 : memref<128x32xf32, #tpu.memory_space<vmem>>) dst(%dma_wait3A_40 : memref<128x32xf32, #tpu.memory_space<hbm>>)
      tpu.yield
    }) : () -> ()
    %add3A_17 = arith.constant 256 : i32
    %add3A_18 = arith.addi %mul3A_2, %add3A_17 : i32
    "tpu.region"() ({
      %run_scoped3A = tpu.sem_alloc : memref<!tpu.dma_semaphore, #tpu.memory_space<semaphore_mem>>
      %dma_start3A_33 = tpu.memref_slice %arg3[%add3A_18] : memref<16384xi32, #tpu.memory_space<hbm>> -> memref<128xi32, #tpu.memory_space<hbm>>
      %dma_start3A_34 = tpu.memref_slice %arg3[%add3A_18] : memref<16384xi32, #tpu.memory_space<hbm>> -> memref<128xi32, #tpu.memory_space<hbm>>
      tpu.enqueue_dma source(%dma_start3A_34 : memref<128xi32, #tpu.memory_space<hbm>>) target(%arg5 : memref<128xi32, #tpu.memory_space<vmem>>) target_semaphore(%run_scoped3A : memref<!tpu.dma_semaphore, #tpu.memory_space<semaphore_mem>>)
      %dma_wait3A_35 = tpu.memref_slice %arg3[%add3A_18] : memref<16384xi32, #tpu.memory_space<hbm>> -> memref<128xi32, #tpu.memory_space<hbm>>
      %dma_wait3A_36 = tpu.memref_slice %arg3[%add3A_18] : memref<16384xi32, #tpu.memory_space<hbm>> -> memref<128xi32, #tpu.memory_space<hbm>>
      tpu.wait_dma2 semaphore(%run_scoped3A : memref<!tpu.dma_semaphore, #tpu.memory_space<semaphore_mem>>) src(%dma_wait3A_36 : memref<128xi32, #tpu.memory_space<hbm>>) dst(%arg5 : memref<128xi32, #tpu.memory_space<vmem>>)
      tpu.yield
    }) : () -> ()
    %dma_start3A_19 = arith.constant 0 : i32
    %dma_start3A_20 = arith.constant 0 : i32
    %dma_start3A_21 = tpu.memref_slice %arg2[%dma_start3A_19, %dma_start3A_20] : memref<8192x32xf32, #tpu.memory_space<hbm>> -> memref<8192x32xf32, #tpu.memory_space<hbm>>
    tpu.enqueue_indirect_dma source(%dma_start3A_21 : memref<8192x32xf32, #tpu.memory_space<hbm>>) target(%arg6 : memref<128x32xf32, #tpu.memory_space<vmem>>) offsets(%arg5 : memref<128xi32, #tpu.memory_space<vmem>>) semaphore(%arg7 : memref<!tpu.dma_semaphore, #tpu.memory_space<semaphore_mem>>)
    %dma_wait3A_22 = arith.constant 0 : i32
    %dma_wait3A_23 = arith.constant 0 : i32
    %dma_wait3A_24 = tpu.memref_slice %arg2[%dma_wait3A_22, %dma_wait3A_23] : memref<8192x32xf32, #tpu.memory_space<hbm>> -> memref<8192x32xf32, #tpu.memory_space<hbm>>
    tpu.wait_indirect_dma semaphore(%arg7 : memref<!tpu.dma_semaphore, #tpu.memory_space<semaphore_mem>>) src(%dma_wait3A_24 : memref<8192x32xf32, #tpu.memory_space<hbm>>) dst(%arg6 : memref<128x32xf32, #tpu.memory_space<vmem>>)
    "tpu.region"() ({
      %run_scoped3A = tpu.sem_alloc : memref<!tpu.dma_semaphore, #tpu.memory_space<semaphore_mem>>
      %dma_start3A_33 = arith.constant 0 : i32
      %dma_start3A_34 = tpu.memref_slice %arg4[%add3A_18, %dma_start3A_33] : memref<16384x32xf32, #tpu.memory_space<hbm>> -> memref<128x32xf32, #tpu.memory_space<hbm>>
      %dma_start3A_35 = arith.constant 0 : i32
      %dma_start3A_36 = tpu.memref_slice %arg4[%add3A_18, %dma_start3A_35] : memref<16384x32xf32, #tpu.memory_space<hbm>> -> memref<128x32xf32, #tpu.memory_space<hbm>>
      tpu.enqueue_dma source(%arg6 : memref<128x32xf32, #tpu.memory_space<vmem>>) target(%dma_start3A_36 : memref<128x32xf32, #tpu.memory_space<hbm>>) target_semaphore(%run_scoped3A : memref<!tpu.dma_semaphore, #tpu.memory_space<semaphore_mem>>)
      %dma_wait3A_37 = arith.constant 0 : i32
      %dma_wait3A_38 = tpu.memref_slice %arg4[%add3A_18, %dma_wait3A_37] : memref<16384x32xf32, #tpu.memory_space<hbm>> -> memref<128x32xf32, #tpu.memory_space<hbm>>
      %dma_wait3A_39 = arith.constant 0 : i32
      %dma_wait3A_40 = tpu.memref_slice %arg4[%add3A_18, %dma_wait3A_39] : memref<16384x32xf32, #tpu.memory_space<hbm>> -> memref<128x32xf32, #tpu.memory_space<hbm>>
      tpu.wait_dma2 semaphore(%run_scoped3A : memref<!tpu.dma_semaphore, #tpu.memory_space<semaphore_mem>>) src(%arg6 : memref<128x32xf32, #tpu.memory_space<vmem>>) dst(%dma_wait3A_40 : memref<128x32xf32, #tpu.memory_space<hbm>>)
      tpu.yield
    }) : () -> ()
    %add3A_25 = arith.constant 384 : i32
    %add3A_26 = arith.addi %mul3A_2, %add3A_25 : i32
    "tpu.region"() ({
      %run_scoped3A = tpu.sem_alloc : memref<!tpu.dma_semaphore, #tpu.memory_space<semaphore_mem>>
      %dma_start3A_33 = tpu.memref_slice %arg3[%add3A_26] : memref<16384xi32, #tpu.memory_space<hbm>> -> memref<128xi32, #tpu.memory_space<hbm>>
      %dma_start3A_34 = tpu.memref_slice %arg3[%add3A_26] : memref<16384xi32, #tpu.memory_space<hbm>> -> memref<128xi32, #tpu.memory_space<hbm>>
      tpu.enqueue_dma source(%dma_start3A_34 : memref<128xi32, #tpu.memory_space<hbm>>) target(%arg5 : memref<128xi32, #tpu.memory_space<vmem>>) target_semaphore(%run_scoped3A : memref<!tpu.dma_semaphore, #tpu.memory_space<semaphore_mem>>)
      %dma_wait3A_35 = tpu.memref_slice %arg3[%add3A_26] : memref<16384xi32, #tpu.memory_space<hbm>> -> memref<128xi32, #tpu.memory_space<hbm>>
      %dma_wait3A_36 = tpu.memref_slice %arg3[%add3A_26] : memref<16384xi32, #tpu.memory_space<hbm>> -> memref<128xi32, #tpu.memory_space<hbm>>
      tpu.wait_dma2 semaphore(%run_scoped3A : memref<!tpu.dma_semaphore, #tpu.memory_space<semaphore_mem>>) src(%dma_wait3A_36 : memref<128xi32, #tpu.memory_space<hbm>>) dst(%arg5 : memref<128xi32, #tpu.memory_space<vmem>>)
      tpu.yield
    }) : () -> ()
    %dma_start3A_27 = arith.constant 0 : i32
    %dma_start3A_28 = arith.constant 0 : i32
    %dma_start3A_29 = tpu.memref_slice %arg2[%dma_start3A_27, %dma_start3A_28] : memref<8192x32xf32, #tpu.memory_space<hbm>> -> memref<8192x32xf32, #tpu.memory_space<hbm>>
    tpu.enqueue_indirect_dma source(%dma_start3A_29 : memref<8192x32xf32, #tpu.memory_space<hbm>>) target(%arg6 : memref<128x32xf32, #tpu.memory_space<vmem>>) offsets(%arg5 : memref<128xi32, #tpu.memory_space<vmem>>) semaphore(%arg7 : memref<!tpu.dma_semaphore, #tpu.memory_space<semaphore_mem>>)
    %dma_wait3A_30 = arith.constant 0 : i32
    %dma_wait3A_31 = arith.constant 0 : i32
    %dma_wait3A_32 = tpu.memref_slice %arg2[%dma_wait3A_30, %dma_wait3A_31] : memref<8192x32xf32, #tpu.memory_space<hbm>> -> memref<8192x32xf32, #tpu.memory_space<hbm>>
    tpu.wait_indirect_dma semaphore(%arg7 : memref<!tpu.dma_semaphore, #tpu.memory_space<semaphore_mem>>) src(%dma_wait3A_32 : memref<8192x32xf32, #tpu.memory_space<hbm>>) dst(%arg6 : memref<128x32xf32, #tpu.memory_space<vmem>>)
    "tpu.region"() ({
      %run_scoped3A = tpu.sem_alloc : memref<!tpu.dma_semaphore, #tpu.memory_space<semaphore_mem>>
      %dma_start3A_33 = arith.constant 0 : i32
      %dma_start3A_34 = tpu.memref_slice %arg4[%add3A_26, %dma_start3A_33] : memref<16384x32xf32, #tpu.memory_space<hbm>> -> memref<128x32xf32, #tpu.memory_space<hbm>>
      %dma_start3A_35 = arith.constant 0 : i32
      %dma_start3A_36 = tpu.memref_slice %arg4[%add3A_26, %dma_start3A_35] : memref<16384x32xf32, #tpu.memory_space<hbm>> -> memref<128x32xf32, #tpu.memory_space<hbm>>
      tpu.enqueue_dma source(%arg6 : memref<128x32xf32, #tpu.memory_space<vmem>>) target(%dma_start3A_36 : memref<128x32xf32, #tpu.memory_space<hbm>>) target_semaphore(%run_scoped3A : memref<!tpu.dma_semaphore, #tpu.memory_space<semaphore_mem>>)
      %dma_wait3A_37 = arith.constant 0 : i32
      %dma_wait3A_38 = tpu.memref_slice %arg4[%add3A_26, %dma_wait3A_37] : memref<16384x32xf32, #tpu.memory_space<hbm>> -> memref<128x32xf32, #tpu.memory_space<hbm>>
      %dma_wait3A_39 = arith.constant 0 : i32
      %dma_wait3A_40 = tpu.memref_slice %arg4[%add3A_26, %dma_wait3A_39] : memref<16384x32xf32, #tpu.memory_space<hbm>> -> memref<128x32xf32, #tpu.memory_space<hbm>>
      tpu.wait_dma2 semaphore(%run_scoped3A : memref<!tpu.dma_semaphore, #tpu.memory_space<semaphore_mem>>) src(%arg6 : memref<128x32xf32, #tpu.memory_space<vmem>>) dst(%dma_wait3A_40 : memref<128x32xf32, #tpu.memory_space<hbm>>)
      tpu.yield
    }) : () -> ()
    return
  }
}

module attributes {stable_mosaic.version = 14 : i64} {
  func.func @_quant_argmin_kernel(%arg0: i32, %arg1: memref<1x192x1024xf32, #tpu.memory_space<vmem>>, %arg2: memref<32x192xf32, #tpu.memory_space<vmem>>, %arg3: memref<32x1xf32, #tpu.memory_space<vmem>>, %arg4: memref<8192x32xf32, #tpu.memory_space<vmem>>, %arg5: memref<1x32x1024xf32, #tpu.memory_space<vmem>>, %arg6: memref<1x1x1024xi32, #tpu.memory_space<vmem>>, %arg7: memref<1024x1024xf32, #tpu.memory_space<vmem>>) attributes {dimension_semantics = [#tpu.dimension_semantics<arbitrary>], iteration_bounds = array<i64: 16>, scalar_prefetch = 0 : i64, scratch_operands = 1 : i64, tpu.core_type = #tpu.core_type<tc>, window_params = [{transform_indices = @transform_0, window_bounds = array<i64: 1, 192, 1024>}, {pipeline_mode = #tpu.pipeline_mode<synchronous>, transform_indices = @transform_1, window_bounds = array<i64: 32, 192>}, {pipeline_mode = #tpu.pipeline_mode<synchronous>, transform_indices = @transform_2, window_bounds = array<i64: 32, 1>}, {pipeline_mode = #tpu.pipeline_mode<synchronous>, transform_indices = @transform_3, window_bounds = array<i64: 8192, 32>}, {transform_indices = @transform_4, window_bounds = array<i64: 1, 32, 1024>}, {transform_indices = @transform_5, window_bounds = array<i64: 1, 1, 1024>}]} {
    %get3A = arith.constant 0 : index
    %get3A_0 = arith.constant 0 : index
    %get3A_1 = arith.constant 0 : index
    %get3A_2 = vector.load %arg1[%get3A, %get3A_0, %get3A_1] : memref<1x192x1024xf32, #tpu.memory_space<vmem>>, vector<1x192x1024xf32>
    %get3A_3 = vector.shape_cast %get3A_2 : vector<1x192x1024xf32> to vector<192x1024xf32>
    %get3A_4 = arith.constant 0 : index
    %get3A_5 = arith.constant 0 : index
    %get3A_6 = vector.load %arg2[%get3A_4, %get3A_5] : memref<32x192xf32, #tpu.memory_space<vmem>>, vector<32x192xf32>
    %dot_general3A = arith.constant dense<0.000000e+00> : vector<32x1024xf32>
    %dot_general3A_7 = tpu.matmul %get3A_6, %get3A_3, %dot_general3A {dimension_numbers = #tpu.dot_dimension_numbers<[1], [0], [0], [1], [0, 0, 1, 1], [], []>, transpose_lhs_hint = false} : vector<32x192xf32>, vector<192x1024xf32>, vector<32x1024xf32> -> vector<32x1024xf32>
    %get3A_8 = arith.constant 0 : index
    %get3A_9 = arith.constant 0 : index
    %get3A_10 = vector.load %arg3[%get3A_8, %get3A_9] : memref<32x1xf32, #tpu.memory_space<vmem>>, vector<32x1xf32>
    %add3A = vector.broadcast %get3A_10 : vector<32x1xf32> to vector<32x1024xf32>
    %add3A_11 = arith.addf %dot_general3A_7, %add3A : vector<32x1024xf32>
    %swap3A = arith.constant 0 : index
    %swap3A_12 = arith.constant 0 : index
    %swap3A_13 = arith.constant 0 : index
    %swap3A_14 = vector.load %arg5[%swap3A, %swap3A_12, %swap3A_13] : memref<1x32x1024xf32, #tpu.memory_space<vmem>>, vector<1x32x1024xf32>
    %swap3A_15 = vector.shape_cast %swap3A_14 : vector<1x32x1024xf32> to vector<32x1024xf32>
    %swap3A_16 = vector.shape_cast %add3A_11 : vector<32x1024xf32> to vector<1x32x1024xf32>
    tpu.vector_store %arg5[%swap3A, %swap3A_12, %swap3A_13], %swap3A_16 {strides = array<i32>} : memref<1x32x1024xf32, #tpu.memory_space<vmem>>, vector<1x32x1024xf32>,
    %convert_element_type3A = arith.truncf %add3A_11 : vector<32x1024xf32> to vector<32x1024xbf16>
    %mul3A = arith.mulf %add3A_11, %add3A_11 : vector<32x1024xf32>
    %reduce_sum3A = arith.constant dense<0.000000e+00> : vector<1024xf32>
    %reduce_sum3A_17 = vector.multi_reduction <add>, %mul3A, %reduce_sum3A [0] : vector<32x1024xf32> to vector<1024xf32>
    %broadcast_in_dim3A = vector.shape_cast %reduce_sum3A_17 : vector<1024xf32> to vector<1x1024xf32>
    %iota3A = tpu.iota {dimensions = array<i32: 0>} : vector<8x1024xi32>
    %convert_element_type3A_18 = arith.sitofp %iota3A : vector<8x1024xi32> to vector<8x1024xf32>
    %broadcast_in_dim3A_19 = arith.constant 0x7F800000 : f32
    %broadcast_in_dim3A_20 = vector.broadcast %broadcast_in_dim3A_19 : f32 to vector<1x1024xf32>
    %broadcast_in_dim3A_21 = arith.constant 0 : i32
    %broadcast_in_dim3A_22 = vector.broadcast %broadcast_in_dim3A_21 : i32 to vector<1x1024xi32>
    %get3A_23 = arith.constant 0 : index
    %get3A_24 = arith.constant 0 : index
    %get3A_25 = vector.load %arg4[%get3A_23, %get3A_24] : memref<8192x32xf32, #tpu.memory_space<vmem>>, vector<1024x32xf32>
    %mul3A_26 = arith.mulf %get3A_25, %get3A_25 : vector<1024x32xf32>
    %reduce_sum3A_27 = arith.constant dense<0.000000e+00> : vector<1024xf32>
    %reduce_sum3A_28 = vector.multi_reduction <add>, %mul3A_26, %reduce_sum3A_27 [1] : vector<1024x32xf32> to vector<1024xf32>
    %broadcast_in_dim3A_29 = vector.shape_cast %reduce_sum3A_28 : vector<1024xf32> to vector<1024x1xf32>
    %add3A_30 = vector.broadcast %broadcast_in_dim3A : vector<1x1024xf32> to vector<1024x1024xf32>
    %add3A_31 = vector.broadcast %broadcast_in_dim3A_29 : vector<1024x1xf32> to vector<1024x1024xf32>
    %add3A_32 = arith.addf %add3A_30, %add3A_31 : vector<1024x1024xf32>
    %add3A_33 = arith.addf %get3A_25, %get3A_25 : vector<1024x32xf32>
    %dot_general3A_34 = arith.constant dense<0.000000e+00> : vector<1024x1024xf32>
    %dot_general3A_35 = tpu.matmul %add3A_33, %convert_element_type3A, %dot_general3A_34 {dimension_numbers = #tpu.dot_dimension_numbers<[1], [0], [0], [1], [0, 0, 1, 1], [], []>, transpose_lhs_hint = false} : vector<1024x32xf32>, vector<32x1024xbf16>, vector<1024x1024xf32> -> vector<1024x1024xf32>
    %sub3A = arith.subf %add3A_32, %dot_general3A_35 : vector<1024x1024xf32>
    %swap3A_36 = arith.constant 0 : index
    %swap3A_37 = arith.constant 0 : index
    %swap3A_38 = vector.load %arg7[%swap3A_36, %swap3A_37] : memref<1024x1024xf32, #tpu.memory_space<vmem>>, vector<1024x1024xf32>
    tpu.vector_store %arg7[%swap3A_36, %swap3A_37], %sub3A {strides = array<i32>} : memref<1024x1024xf32, #tpu.memory_space<vmem>>, vector<1024x1024xf32>,
    %broadcast_in_dim3A_39 = arith.constant 0x7F800000 : f32
    %broadcast_in_dim3A_40 = vector.broadcast %broadcast_in_dim3A_39 : f32 to vector<8x1024xf32>
    %broadcast_in_dim3A_41 = arith.constant 0.000000e+00 : f32
    %broadcast_in_dim3A_42 = vector.broadcast %broadcast_in_dim3A_41 : f32 to vector<8x1024xf32>
    %scan3A = arith.constant 0 : i32
    %scan3A_43 = arith.constant 128 : i32
    %scan3A_44 = arith.addi %scan3A, %scan3A_43 : i32
    %scan3A_45 = arith.constant 8 : i32
    %scan3A_46:2 = scf.for %scan3A_569 = %scan3A to %scan3A_44 step %scan3A_45 iter_args(%scan3A_570 = %broadcast_in_dim3A_40, %scan3A_571 = %broadcast_in_dim3A_42) -> (vector<8x1024xf32>, vector<8x1024xf32>)  : i32 {
      %mul3A_572 = arith.constant 8 : i32
      %mul3A_573 = arith.muli %scan3A_569, %mul3A_572 : i32
      %multiple_of3A = tpu.assume_multiple %mul3A_573, 8 : i32
      %get3A_574 = arith.index_cast %multiple_of3A : i32 to index
      %get3A_575 = arith.constant 0 : index
      %get3A_576 = vector.load %arg7[%get3A_574, %get3A_575] : memref<1024x1024xf32, #tpu.memory_space<vmem>>, vector<8x1024xf32>
      %mul3A_577 = arith.constant 8 : i32
      %mul3A_578 = arith.muli %scan3A_569, %mul3A_577 : i32
      %convert_element_type3A_579 = arith.sitofp %mul3A_578 : i32 to f32
      %add3A_580 = vector.broadcast %convert_element_type3A_579 : f32 to vector<8x1024xf32>
      %add3A_581 = arith.addf %convert_element_type3A_18, %add3A_580 : vector<8x1024xf32>
      %lt3A_582 = arith.cmpf olt, %get3A_576, %scan3A_570 : vector<8x1024xf32>
      %select_n3A_583 = arith.select %lt3A_582, %get3A_576, %scan3A_570 : vector<8x1024xi1>, vector<8x1024xf32>
      %select_n3A_584 = arith.select %lt3A_582, %add3A_581, %scan3A_571 : vector<8x1024xi1>, vector<8x1024xf32>
      %scan3A_585 = arith.constant 1 : i32
      %scan3A_586 = arith.addi %scan3A_569, %scan3A_585 : i32
      %mul3A_587 = arith.constant 8 : i32
      %mul3A_588 = arith.muli %scan3A_586, %mul3A_587 : i32
      %multiple_of3A_589 = tpu.assume_multiple %mul3A_588, 8 : i32
      %get3A_590 = arith.index_cast %multiple_of3A_589 : i32 to index
      %get3A_591 = arith.constant 0 : index
      %get3A_592 = vector.load %arg7[%get3A_590, %get3A_591] : memref<1024x1024xf32, #tpu.memory_space<vmem>>, vector<8x1024xf32>
      %mul3A_593 = arith.constant 8 : i32
      %mul3A_594 = arith.muli %scan3A_586, %mul3A_593 : i32
      %convert_element_type3A_595 = arith.sitofp %mul3A_594 : i32 to f32
      %add3A_596 = vector.broadcast %convert_element_type3A_595 : f32 to vector<8x1024xf32>
      %add3A_597 = arith.addf %convert_element_type3A_18, %add3A_596 : vector<8x1024xf32>
      %lt3A_598 = arith.cmpf olt, %get3A_592, %select_n3A_583 : vector<8x1024xf32>
      %select_n3A_599 = arith.select %lt3A_598, %get3A_592, %select_n3A_583 : vector<8x1024xi1>, vector<8x1024xf32>
      %select_n3A_600 = arith.select %lt3A_598, %add3A_597, %select_n3A_584 : vector<8x1024xi1>, vector<8x1024xf32>
      %scan3A_601 = arith.constant 2 : i32
      %scan3A_602 = arith.addi %scan3A_569, %scan3A_601 : i32
      %mul3A_603 = arith.constant 8 : i32
      %mul3A_604 = arith.muli %scan3A_602, %mul3A_603 : i32
      %multiple_of3A_605 = tpu.assume_multiple %mul3A_604, 8 : i32
      %get3A_606 = arith.index_cast %multiple_of3A_605 : i32 to index
      %get3A_607 = arith.constant 0 : index
      %get3A_608 = vector.load %arg7[%get3A_606, %get3A_607] : memref<1024x1024xf32, #tpu.memory_space<vmem>>, vector<8x1024xf32>
      %mul3A_609 = arith.constant 8 : i32
      %mul3A_610 = arith.muli %scan3A_602, %mul3A_609 : i32
      %convert_element_type3A_611 = arith.sitofp %mul3A_610 : i32 to f32
      %add3A_612 = vector.broadcast %convert_element_type3A_611 : f32 to vector<8x1024xf32>
      %add3A_613 = arith.addf %convert_element_type3A_18, %add3A_612 : vector<8x1024xf32>
      %lt3A_614 = arith.cmpf olt, %get3A_608, %select_n3A_599 : vector<8x1024xf32>
      %select_n3A_615 = arith.select %lt3A_614, %get3A_608, %select_n3A_599 : vector<8x1024xi1>, vector<8x1024xf32>
      %select_n3A_616 = arith.select %lt3A_614, %add3A_613, %select_n3A_600 : vector<8x1024xi1>, vector<8x1024xf32>
      %scan3A_617 = arith.constant 3 : i32
      %scan3A_618 = arith.addi %scan3A_569, %scan3A_617 : i32
      %mul3A_619 = arith.constant 8 : i32
      %mul3A_620 = arith.muli %scan3A_618, %mul3A_619 : i32
      %multiple_of3A_621 = tpu.assume_multiple %mul3A_620, 8 : i32
      %get3A_622 = arith.index_cast %multiple_of3A_621 : i32 to index
      %get3A_623 = arith.constant 0 : index
      %get3A_624 = vector.load %arg7[%get3A_622, %get3A_623] : memref<1024x1024xf32, #tpu.memory_space<vmem>>, vector<8x1024xf32>
      %mul3A_625 = arith.constant 8 : i32
      %mul3A_626 = arith.muli %scan3A_618, %mul3A_625 : i32
      %convert_element_type3A_627 = arith.sitofp %mul3A_626 : i32 to f32
      %add3A_628 = vector.broadcast %convert_element_type3A_627 : f32 to vector<8x1024xf32>
      %add3A_629 = arith.addf %convert_element_type3A_18, %add3A_628 : vector<8x1024xf32>
      %lt3A_630 = arith.cmpf olt, %get3A_624, %select_n3A_615 : vector<8x1024xf32>
      %select_n3A_631 = arith.select %lt3A_630, %get3A_624, %select_n3A_615 : vector<8x1024xi1>, vector<8x1024xf32>
      %select_n3A_632 = arith.select %lt3A_630, %add3A_629, %select_n3A_616 : vector<8x1024xi1>, vector<8x1024xf32>
      %scan3A_633 = arith.constant 4 : i32
      %scan3A_634 = arith.addi %scan3A_569, %scan3A_633 : i32
      %mul3A_635 = arith.constant 8 : i32
      %mul3A_636 = arith.muli %scan3A_634, %mul3A_635 : i32
      %multiple_of3A_637 = tpu.assume_multiple %mul3A_636, 8 : i32
      %get3A_638 = arith.index_cast %multiple_of3A_637 : i32 to index
      %get3A_639 = arith.constant 0 : index
      %get3A_640 = vector.load %arg7[%get3A_638, %get3A_639] : memref<1024x1024xf32, #tpu.memory_space<vmem>>, vector<8x1024xf32>
      %mul3A_641 = arith.constant 8 : i32
      %mul3A_642 = arith.muli %scan3A_634, %mul3A_641 : i32
      %convert_element_type3A_643 = arith.sitofp %mul3A_642 : i32 to f32
      %add3A_644 = vector.broadcast %convert_element_type3A_643 : f32 to vector<8x1024xf32>
      %add3A_645 = arith.addf %convert_element_type3A_18, %add3A_644 : vector<8x1024xf32>
      %lt3A_646 = arith.cmpf olt, %get3A_640, %select_n3A_631 : vector<8x1024xf32>
      %select_n3A_647 = arith.select %lt3A_646, %get3A_640, %select_n3A_631 : vector<8x1024xi1>, vector<8x1024xf32>
      %select_n3A_648 = arith.select %lt3A_646, %add3A_645, %select_n3A_632 : vector<8x1024xi1>, vector<8x1024xf32>
      %scan3A_649 = arith.constant 5 : i32
      %scan3A_650 = arith.addi %scan3A_569, %scan3A_649 : i32
      %mul3A_651 = arith.constant 8 : i32
      %mul3A_652 = arith.muli %scan3A_650, %mul3A_651 : i32
      %multiple_of3A_653 = tpu.assume_multiple %mul3A_652, 8 : i32
      %get3A_654 = arith.index_cast %multiple_of3A_653 : i32 to index
      %get3A_655 = arith.constant 0 : index
      %get3A_656 = vector.load %arg7[%get3A_654, %get3A_655] : memref<1024x1024xf32, #tpu.memory_space<vmem>>, vector<8x1024xf32>
      %mul3A_657 = arith.constant 8 : i32
      %mul3A_658 = arith.muli %scan3A_650, %mul3A_657 : i32
      %convert_element_type3A_659 = arith.sitofp %mul3A_658 : i32 to f32
      %add3A_660 = vector.broadcast %convert_element_type3A_659 : f32 to vector<8x1024xf32>
      %add3A_661 = arith.addf %convert_element_type3A_18, %add3A_660 : vector<8x1024xf32>
      %lt3A_662 = arith.cmpf olt, %get3A_656, %select_n3A_647 : vector<8x1024xf32>
      %select_n3A_663 = arith.select %lt3A_662, %get3A_656, %select_n3A_647 : vector<8x1024xi1>, vector<8x1024xf32>
      %select_n3A_664 = arith.select %lt3A_662, %add3A_661, %select_n3A_648 : vector<8x1024xi1>, vector<8x1024xf32>
      %scan3A_665 = arith.constant 6 : i32
      %scan3A_666 = arith.addi %scan3A_569, %scan3A_665 : i32
      %mul3A_667 = arith.constant 8 : i32
      %mul3A_668 = arith.muli %scan3A_666, %mul3A_667 : i32
      %multiple_of3A_669 = tpu.assume_multiple %mul3A_668, 8 : i32
      %get3A_670 = arith.index_cast %multiple_of3A_669 : i32 to index
      %get3A_671 = arith.constant 0 : index
      %get3A_672 = vector.load %arg7[%get3A_670, %get3A_671] : memref<1024x1024xf32, #tpu.memory_space<vmem>>, vector<8x1024xf32>
      %mul3A_673 = arith.constant 8 : i32
      %mul3A_674 = arith.muli %scan3A_666, %mul3A_673 : i32
      %convert_element_type3A_675 = arith.sitofp %mul3A_674 : i32 to f32
      %add3A_676 = vector.broadcast %convert_element_type3A_675 : f32 to vector<8x1024xf32>
      %add3A_677 = arith.addf %convert_element_type3A_18, %add3A_676 : vector<8x1024xf32>
      %lt3A_678 = arith.cmpf olt, %get3A_672, %select_n3A_663 : vector<8x1024xf32>
      %select_n3A_679 = arith.select %lt3A_678, %get3A_672, %select_n3A_663 : vector<8x1024xi1>, vector<8x1024xf32>
      %select_n3A_680 = arith.select %lt3A_678, %add3A_677, %select_n3A_664 : vector<8x1024xi1>, vector<8x1024xf32>
      %scan3A_681 = arith.constant 7 : i32
      %scan3A_682 = arith.addi %scan3A_569, %scan3A_681 : i32
      %mul3A_683 = arith.constant 8 : i32
      %mul3A_684 = arith.muli %scan3A_682, %mul3A_683 : i32
      %multiple_of3A_685 = tpu.assume_multiple %mul3A_684, 8 : i32
      %get3A_686 = arith.index_cast %multiple_of3A_685 : i32 to index
      %get3A_687 = arith.constant 0 : index
      %get3A_688 = vector.load %arg7[%get3A_686, %get3A_687] : memref<1024x1024xf32, #tpu.memory_space<vmem>>, vector<8x1024xf32>
      %mul3A_689 = arith.constant 8 : i32
      %mul3A_690 = arith.muli %scan3A_682, %mul3A_689 : i32
      %convert_element_type3A_691 = arith.sitofp %mul3A_690 : i32 to f32
      %add3A_692 = vector.broadcast %convert_element_type3A_691 : f32 to vector<8x1024xf32>
      %add3A_693 = arith.addf %convert_element_type3A_18, %add3A_692 : vector<8x1024xf32>
      %lt3A_694 = arith.cmpf olt, %get3A_688, %select_n3A_679 : vector<8x1024xf32>
      %select_n3A_695 = arith.select %lt3A_694, %get3A_688, %select_n3A_679 : vector<8x1024xi1>, vector<8x1024xf32>
      %select_n3A_696 = arith.select %lt3A_694, %add3A_693, %select_n3A_680 : vector<8x1024xi1>, vector<8x1024xf32>
      scf.yield %select_n3A_695, %select_n3A_696 : vector<8x1024xf32>, vector<8x1024xf32>
    }
    %scan3A_47 = arith.constant 128 : i32
    %slice3A = vector.extract_strided_slice %scan3A_46#0 {offsets = [0, 0], sizes = [4, 1024], strides = [1, 1]} : vector<8x1024xf32> to vector<4x1024xf32>
    %slice3A_48 = vector.extract_strided_slice %scan3A_46#0 {offsets = [4, 0], sizes = [4, 1024], strides = [1, 1]} : vector<8x1024xf32> to vector<4x1024xf32>
    %slice3A_49 = vector.extract_strided_slice %scan3A_46#1 {offsets = [0, 0], sizes = [4, 1024], strides = [1, 1]} : vector<8x1024xf32> to vector<4x1024xf32>
    %slice3A_50 = vector.extract_strided_slice %scan3A_46#1 {offsets = [4, 0], sizes = [4, 1024], strides = [1, 1]} : vector<8x1024xf32> to vector<4x1024xf32>
    %lt3A = arith.cmpf olt, %slice3A, %slice3A_48 : vector<4x1024xf32>
    %eq3A = arith.cmpf oeq, %slice3A, %slice3A_48 : vector<4x1024xf32>
    %lt3A_51 = arith.cmpf olt, %slice3A_49, %slice3A_50 : vector<4x1024xf32>
    %and3A = arith.andi %eq3A, %lt3A_51 : vector<4x1024xi1>
    %or3A = arith.ori %lt3A, %and3A : vector<4x1024xi1>
    %select_n3A = arith.select %or3A, %slice3A, %slice3A_48 : vector<4x1024xi1>, vector<4x1024xf32>
    %select_n3A_52 = arith.select %or3A, %slice3A_49, %slice3A_50 : vector<4x1024xi1>, vector<4x1024xf32>
    %slice3A_53 = vector.extract_strided_slice %select_n3A {offsets = [0, 0], sizes = [2, 1024], strides = [1, 1]} : vector<4x1024xf32> to vector<2x1024xf32>
    %slice3A_54 = vector.extract_strided_slice %select_n3A {offsets = [2, 0], sizes = [2, 1024], strides = [1, 1]} : vector<4x1024xf32> to vector<2x1024xf32>
    %slice3A_55 = vector.extract_strided_slice %select_n3A_52 {offsets = [0, 0], sizes = [2, 1024], strides = [1, 1]} : vector<4x1024xf32> to vector<2x1024xf32>
    %slice3A_56 = vector.extract_strided_slice %select_n3A_52 {offsets = [2, 0], sizes = [2, 1024], strides = [1, 1]} : vector<4x1024xf32> to vector<2x1024xf32>
    %lt3A_57 = arith.cmpf olt, %slice3A_53, %slice3A_54 : vector<2x1024xf32>
    %eq3A_58 = arith.cmpf oeq, %slice3A_53, %slice3A_54 : vector<2x1024xf32>
    %lt3A_59 = arith.cmpf olt, %slice3A_55, %slice3A_56 : vector<2x1024xf32>
    %and3A_60 = arith.andi %eq3A_58, %lt3A_59 : vector<2x1024xi1>
    %or3A_61 = arith.ori %lt3A_57, %and3A_60 : vector<2x1024xi1>
    %select_n3A_62 = arith.select %or3A_61, %slice3A_53, %slice3A_54 : vector<2x1024xi1>, vector<2x1024xf32>
    %select_n3A_63 = arith.select %or3A_61, %slice3A_55, %slice3A_56 : vector<2x1024xi1>, vector<2x1024xf32>
    %slice3A_64 = vector.extract_strided_slice %select_n3A_62 {offsets = [0, 0], sizes = [1, 1024], strides = [1, 1]} : vector<2x1024xf32> to vector<1x1024xf32>
    %slice3A_65 = vector.extract_strided_slice %select_n3A_62 {offsets = [1, 0], sizes = [1, 1024], strides = [1, 1]} : vector<2x1024xf32> to vector<1x1024xf32>
    %slice3A_66 = vector.extract_strided_slice %select_n3A_63 {offsets = [0, 0], sizes = [1, 1024], strides = [1, 1]} : vector<2x1024xf32> to vector<1x1024xf32>
    %slice3A_67 = vector.extract_strided_slice %select_n3A_63 {offsets = [1, 0], sizes = [1, 1024], strides = [1, 1]} : vector<2x1024xf32> to vector<1x1024xf32>
    %lt3A_68 = arith.cmpf olt, %slice3A_64, %slice3A_65 : vector<1x1024xf32>
    %eq3A_69 = arith.cmpf oeq, %slice3A_64, %slice3A_65 : vector<1x1024xf32>
    %lt3A_70 = arith.cmpf olt, %slice3A_66, %slice3A_67 : vector<1x1024xf32>
    %and3A_71 = arith.andi %eq3A_69, %lt3A_70 : vector<1x1024xi1>
    %or3A_72 = arith.ori %lt3A_68, %and3A_71 : vector<1x1024xi1>
    %select_n3A_73 = arith.select %or3A_72, %slice3A_64, %slice3A_65 : vector<1x1024xi1>, vector<1x1024xf32>
    %select_n3A_74 = arith.select %or3A_72, %slice3A_66, %slice3A_67 : vector<1x1024xi1>, vector<1x1024xf32>
    %convert_element_type3A_75 = arith.fptosi %select_n3A_74 : vector<1x1024xf32> to vector<1x1024xi32>
    %add3A_76 = arith.constant 0 : i32
    %add3A_77 = vector.broadcast %add3A_76 : i32 to vector<1x1024xi32>
    %add3A_78 = arith.addi %convert_element_type3A_75, %add3A_77 : vector<1x1024xi32>
    %lt3A_79 = arith.cmpf olt, %select_n3A_73, %broadcast_in_dim3A_20 : vector<1x1024xf32>
    %select_n3A_80 = arith.select %lt3A_79, %select_n3A_73, %broadcast_in_dim3A_20 : vector<1x1024xi1>, vector<1x1024xf32>
    %select_n3A_81 = arith.select %lt3A_79, %add3A_78, %broadcast_in_dim3A_22 : vector<1x1024xi1>, vector<1x1024xi32>
    %get3A_82 = arith.constant 1024 : index
    %get3A_83 = arith.constant 0 : index
    %get3A_84 = vector.load %arg4[%get3A_82, %get3A_83] : memref<8192x32xf32, #tpu.memory_space<vmem>>, vector<1024x32xf32>
    %mul3A_85 = arith.mulf %get3A_84, %get3A_84 : vector<1024x32xf32>
    %reduce_sum3A_86 = arith.constant dense<0.000000e+00> : vector<1024xf32>
    %reduce_sum3A_87 = vector.multi_reduction <add>, %mul3A_85, %reduce_sum3A_86 [1] : vector<1024x32xf32> to vector<1024xf32>
    %broadcast_in_dim3A_88 = vector.shape_cast %reduce_sum3A_87 : vector<1024xf32> to vector<1024x1xf32>
    %add3A_89 = vector.broadcast %broadcast_in_dim3A : vector<1x1024xf32> to vector<1024x1024xf32>
    %add3A_90 = vector.broadcast %broadcast_in_dim3A_88 : vector<1024x1xf32> to vector<1024x1024xf32>
    %add3A_91 = arith.addf %add3A_89, %add3A_90 : vector<1024x1024xf32>
    %add3A_92 = arith.addf %get3A_84, %get3A_84 : vector<1024x32xf32>
    %dot_general3A_93 = arith.constant dense<0.000000e+00> : vector<1024x1024xf32>
    %dot_general3A_94 = tpu.matmul %add3A_92, %convert_element_type3A, %dot_general3A_93 {dimension_numbers = #tpu.dot_dimension_numbers<[1], [0], [0], [1], [0, 0, 1, 1], [], []>, transpose_lhs_hint = false} : vector<1024x32xf32>, vector<32x1024xbf16>, vector<1024x1024xf32> -> vector<1024x1024xf32>
    %sub3A_95 = arith.subf %add3A_91, %dot_general3A_94 : vector<1024x1024xf32>
    %swap3A_96 = arith.constant 0 : index
    %swap3A_97 = arith.constant 0 : index
    %swap3A_98 = vector.load %arg7[%swap3A_96, %swap3A_97] : memref<1024x1024xf32, #tpu.memory_space<vmem>>, vector<1024x1024xf32>
    tpu.vector_store %arg7[%swap3A_96, %swap3A_97], %sub3A_95 {strides = array<i32>} : memref<1024x1024xf32, #tpu.memory_space<vmem>>, vector<1024x1024xf32>,
    %broadcast_in_dim3A_99 = arith.constant 0x7F800000 : f32
    %broadcast_in_dim3A_100 = vector.broadcast %broadcast_in_dim3A_99 : f32 to vector<8x1024xf32>
    %broadcast_in_dim3A_101 = arith.constant 0.000000e+00 : f32
    %broadcast_in_dim3A_102 = vector.broadcast %broadcast_in_dim3A_101 : f32 to vector<8x1024xf32>
    %scan3A_103 = arith.constant 0 : i32
    %scan3A_104 = arith.constant 128 : i32
    %scan3A_105 = arith.addi %scan3A_103, %scan3A_104 : i32
    %scan3A_106 = arith.constant 8 : i32
    %scan3A_107:2 = scf.for %scan3A_569 = %scan3A_103 to %scan3A_105 step %scan3A_106 iter_args(%scan3A_570 = %broadcast_in_dim3A_100, %scan3A_571 = %broadcast_in_dim3A_102) -> (vector<8x1024xf32>, vector<8x1024xf32>)  : i32 {
      %mul3A_572 = arith.constant 8 : i32
      %mul3A_573 = arith.muli %scan3A_569, %mul3A_572 : i32
      %multiple_of3A = tpu.assume_multiple %mul3A_573, 8 : i32
      %get3A_574 = arith.index_cast %multiple_of3A : i32 to index
      %get3A_575 = arith.constant 0 : index
      %get3A_576 = vector.load %arg7[%get3A_574, %get3A_575] : memref<1024x1024xf32, #tpu.memory_space<vmem>>, vector<8x1024xf32>
      %mul3A_577 = arith.constant 8 : i32
      %mul3A_578 = arith.muli %scan3A_569, %mul3A_577 : i32
      %convert_element_type3A_579 = arith.sitofp %mul3A_578 : i32 to f32
      %add3A_580 = vector.broadcast %convert_element_type3A_579 : f32 to vector<8x1024xf32>
      %add3A_581 = arith.addf %convert_element_type3A_18, %add3A_580 : vector<8x1024xf32>
      %lt3A_582 = arith.cmpf olt, %get3A_576, %scan3A_570 : vector<8x1024xf32>
      %select_n3A_583 = arith.select %lt3A_582, %get3A_576, %scan3A_570 : vector<8x1024xi1>, vector<8x1024xf32>
      %select_n3A_584 = arith.select %lt3A_582, %add3A_581, %scan3A_571 : vector<8x1024xi1>, vector<8x1024xf32>
      %scan3A_585 = arith.constant 1 : i32
      %scan3A_586 = arith.addi %scan3A_569, %scan3A_585 : i32
      %mul3A_587 = arith.constant 8 : i32
      %mul3A_588 = arith.muli %scan3A_586, %mul3A_587 : i32
      %multiple_of3A_589 = tpu.assume_multiple %mul3A_588, 8 : i32
      %get3A_590 = arith.index_cast %multiple_of3A_589 : i32 to index
      %get3A_591 = arith.constant 0 : index
      %get3A_592 = vector.load %arg7[%get3A_590, %get3A_591] : memref<1024x1024xf32, #tpu.memory_space<vmem>>, vector<8x1024xf32>
      %mul3A_593 = arith.constant 8 : i32
      %mul3A_594 = arith.muli %scan3A_586, %mul3A_593 : i32
      %convert_element_type3A_595 = arith.sitofp %mul3A_594 : i32 to f32
      %add3A_596 = vector.broadcast %convert_element_type3A_595 : f32 to vector<8x1024xf32>
      %add3A_597 = arith.addf %convert_element_type3A_18, %add3A_596 : vector<8x1024xf32>
      %lt3A_598 = arith.cmpf olt, %get3A_592, %select_n3A_583 : vector<8x1024xf32>
      %select_n3A_599 = arith.select %lt3A_598, %get3A_592, %select_n3A_583 : vector<8x1024xi1>, vector<8x1024xf32>
      %select_n3A_600 = arith.select %lt3A_598, %add3A_597, %select_n3A_584 : vector<8x1024xi1>, vector<8x1024xf32>
      %scan3A_601 = arith.constant 2 : i32
      %scan3A_602 = arith.addi %scan3A_569, %scan3A_601 : i32
      %mul3A_603 = arith.constant 8 : i32
      %mul3A_604 = arith.muli %scan3A_602, %mul3A_603 : i32
      %multiple_of3A_605 = tpu.assume_multiple %mul3A_604, 8 : i32
      %get3A_606 = arith.index_cast %multiple_of3A_605 : i32 to index
      %get3A_607 = arith.constant 0 : index
      %get3A_608 = vector.load %arg7[%get3A_606, %get3A_607] : memref<1024x1024xf32, #tpu.memory_space<vmem>>, vector<8x1024xf32>
      %mul3A_609 = arith.constant 8 : i32
      %mul3A_610 = arith.muli %scan3A_602, %mul3A_609 : i32
      %convert_element_type3A_611 = arith.sitofp %mul3A_610 : i32 to f32
      %add3A_612 = vector.broadcast %convert_element_type3A_611 : f32 to vector<8x1024xf32>
      %add3A_613 = arith.addf %convert_element_type3A_18, %add3A_612 : vector<8x1024xf32>
      %lt3A_614 = arith.cmpf olt, %get3A_608, %select_n3A_599 : vector<8x1024xf32>
      %select_n3A_615 = arith.select %lt3A_614, %get3A_608, %select_n3A_599 : vector<8x1024xi1>, vector<8x1024xf32>
      %select_n3A_616 = arith.select %lt3A_614, %add3A_613, %select_n3A_600 : vector<8x1024xi1>, vector<8x1024xf32>
      %scan3A_617 = arith.constant 3 : i32
      %scan3A_618 = arith.addi %scan3A_569, %scan3A_617 : i32
      %mul3A_619 = arith.constant 8 : i32
      %mul3A_620 = arith.muli %scan3A_618, %mul3A_619 : i32
      %multiple_of3A_621 = tpu.assume_multiple %mul3A_620, 8 : i32
      %get3A_622 = arith.index_cast %multiple_of3A_621 : i32 to index
      %get3A_623 = arith.constant 0 : index
      %get3A_624 = vector.load %arg7[%get3A_622, %get3A_623] : memref<1024x1024xf32, #tpu.memory_space<vmem>>, vector<8x1024xf32>
      %mul3A_625 = arith.constant 8 : i32
      %mul3A_626 = arith.muli %scan3A_618, %mul3A_625 : i32
      %convert_element_type3A_627 = arith.sitofp %mul3A_626 : i32 to f32
      %add3A_628 = vector.broadcast %convert_element_type3A_627 : f32 to vector<8x1024xf32>
      %add3A_629 = arith.addf %convert_element_type3A_18, %add3A_628 : vector<8x1024xf32>
      %lt3A_630 = arith.cmpf olt, %get3A_624, %select_n3A_615 : vector<8x1024xf32>
      %select_n3A_631 = arith.select %lt3A_630, %get3A_624, %select_n3A_615 : vector<8x1024xi1>, vector<8x1024xf32>
      %select_n3A_632 = arith.select %lt3A_630, %add3A_629, %select_n3A_616 : vector<8x1024xi1>, vector<8x1024xf32>
      %scan3A_633 = arith.constant 4 : i32
      %scan3A_634 = arith.addi %scan3A_569, %scan3A_633 : i32
      %mul3A_635 = arith.constant 8 : i32
      %mul3A_636 = arith.muli %scan3A_634, %mul3A_635 : i32
      %multiple_of3A_637 = tpu.assume_multiple %mul3A_636, 8 : i32
      %get3A_638 = arith.index_cast %multiple_of3A_637 : i32 to index
      %get3A_639 = arith.constant 0 : index
      %get3A_640 = vector.load %arg7[%get3A_638, %get3A_639] : memref<1024x1024xf32, #tpu.memory_space<vmem>>, vector<8x1024xf32>
      %mul3A_641 = arith.constant 8 : i32
      %mul3A_642 = arith.muli %scan3A_634, %mul3A_641 : i32
      %convert_element_type3A_643 = arith.sitofp %mul3A_642 : i32 to f32
      %add3A_644 = vector.broadcast %convert_element_type3A_643 : f32 to vector<8x1024xf32>
      %add3A_645 = arith.addf %convert_element_type3A_18, %add3A_644 : vector<8x1024xf32>
      %lt3A_646 = arith.cmpf olt, %get3A_640, %select_n3A_631 : vector<8x1024xf32>
      %select_n3A_647 = arith.select %lt3A_646, %get3A_640, %select_n3A_631 : vector<8x1024xi1>, vector<8x1024xf32>
      %select_n3A_648 = arith.select %lt3A_646, %add3A_645, %select_n3A_632 : vector<8x1024xi1>, vector<8x1024xf32>
      %scan3A_649 = arith.constant 5 : i32
      %scan3A_650 = arith.addi %scan3A_569, %scan3A_649 : i32
      %mul3A_651 = arith.constant 8 : i32
      %mul3A_652 = arith.muli %scan3A_650, %mul3A_651 : i32
      %multiple_of3A_653 = tpu.assume_multiple %mul3A_652, 8 : i32
      %get3A_654 = arith.index_cast %multiple_of3A_653 : i32 to index
      %get3A_655 = arith.constant 0 : index
      %get3A_656 = vector.load %arg7[%get3A_654, %get3A_655] : memref<1024x1024xf32, #tpu.memory_space<vmem>>, vector<8x1024xf32>
      %mul3A_657 = arith.constant 8 : i32
      %mul3A_658 = arith.muli %scan3A_650, %mul3A_657 : i32
      %convert_element_type3A_659 = arith.sitofp %mul3A_658 : i32 to f32
      %add3A_660 = vector.broadcast %convert_element_type3A_659 : f32 to vector<8x1024xf32>
      %add3A_661 = arith.addf %convert_element_type3A_18, %add3A_660 : vector<8x1024xf32>
      %lt3A_662 = arith.cmpf olt, %get3A_656, %select_n3A_647 : vector<8x1024xf32>
      %select_n3A_663 = arith.select %lt3A_662, %get3A_656, %select_n3A_647 : vector<8x1024xi1>, vector<8x1024xf32>
      %select_n3A_664 = arith.select %lt3A_662, %add3A_661, %select_n3A_648 : vector<8x1024xi1>, vector<8x1024xf32>
      %scan3A_665 = arith.constant 6 : i32
      %scan3A_666 = arith.addi %scan3A_569, %scan3A_665 : i32
      %mul3A_667 = arith.constant 8 : i32
      %mul3A_668 = arith.muli %scan3A_666, %mul3A_667 : i32
      %multiple_of3A_669 = tpu.assume_multiple %mul3A_668, 8 : i32
      %get3A_670 = arith.index_cast %multiple_of3A_669 : i32 to index
      %get3A_671 = arith.constant 0 : index
      %get3A_672 = vector.load %arg7[%get3A_670, %get3A_671] : memref<1024x1024xf32, #tpu.memory_space<vmem>>, vector<8x1024xf32>
      %mul3A_673 = arith.constant 8 : i32
      %mul3A_674 = arith.muli %scan3A_666, %mul3A_673 : i32
      %convert_element_type3A_675 = arith.sitofp %mul3A_674 : i32 to f32
      %add3A_676 = vector.broadcast %convert_element_type3A_675 : f32 to vector<8x1024xf32>
      %add3A_677 = arith.addf %convert_element_type3A_18, %add3A_676 : vector<8x1024xf32>
      %lt3A_678 = arith.cmpf olt, %get3A_672, %select_n3A_663 : vector<8x1024xf32>
      %select_n3A_679 = arith.select %lt3A_678, %get3A_672, %select_n3A_663 : vector<8x1024xi1>, vector<8x1024xf32>
      %select_n3A_680 = arith.select %lt3A_678, %add3A_677, %select_n3A_664 : vector<8x1024xi1>, vector<8x1024xf32>
      %scan3A_681 = arith.constant 7 : i32
      %scan3A_682 = arith.addi %scan3A_569, %scan3A_681 : i32
      %mul3A_683 = arith.constant 8 : i32
      %mul3A_684 = arith.muli %scan3A_682, %mul3A_683 : i32
      %multiple_of3A_685 = tpu.assume_multiple %mul3A_684, 8 : i32
      %get3A_686 = arith.index_cast %multiple_of3A_685 : i32 to index
      %get3A_687 = arith.constant 0 : index
      %get3A_688 = vector.load %arg7[%get3A_686, %get3A_687] : memref<1024x1024xf32, #tpu.memory_space<vmem>>, vector<8x1024xf32>
      %mul3A_689 = arith.constant 8 : i32
      %mul3A_690 = arith.muli %scan3A_682, %mul3A_689 : i32
      %convert_element_type3A_691 = arith.sitofp %mul3A_690 : i32 to f32
      %add3A_692 = vector.broadcast %convert_element_type3A_691 : f32 to vector<8x1024xf32>
      %add3A_693 = arith.addf %convert_element_type3A_18, %add3A_692 : vector<8x1024xf32>
      %lt3A_694 = arith.cmpf olt, %get3A_688, %select_n3A_679 : vector<8x1024xf32>
      %select_n3A_695 = arith.select %lt3A_694, %get3A_688, %select_n3A_679 : vector<8x1024xi1>, vector<8x1024xf32>
      %select_n3A_696 = arith.select %lt3A_694, %add3A_693, %select_n3A_680 : vector<8x1024xi1>, vector<8x1024xf32>
      scf.yield %select_n3A_695, %select_n3A_696 : vector<8x1024xf32>, vector<8x1024xf32>
    }
    %scan3A_108 = arith.constant 128 : i32
    %slice3A_109 = vector.extract_strided_slice %scan3A_107#0 {offsets = [0, 0], sizes = [4, 1024], strides = [1, 1]} : vector<8x1024xf32> to vector<4x1024xf32>
    %slice3A_110 = vector.extract_strided_slice %scan3A_107#0 {offsets = [4, 0], sizes = [4, 1024], strides = [1, 1]} : vector<8x1024xf32> to vector<4x1024xf32>
    %slice3A_111 = vector.extract_strided_slice %scan3A_107#1 {offsets = [0, 0], sizes = [4, 1024], strides = [1, 1]} : vector<8x1024xf32> to vector<4x1024xf32>
    %slice3A_112 = vector.extract_strided_slice %scan3A_107#1 {offsets = [4, 0], sizes = [4, 1024], strides = [1, 1]} : vector<8x1024xf32> to vector<4x1024xf32>
    %lt3A_113 = arith.cmpf olt, %slice3A_109, %slice3A_110 : vector<4x1024xf32>
    %eq3A_114 = arith.cmpf oeq, %slice3A_109, %slice3A_110 : vector<4x1024xf32>
    %lt3A_115 = arith.cmpf olt, %slice3A_111, %slice3A_112 : vector<4x1024xf32>
    %and3A_116 = arith.andi %eq3A_114, %lt3A_115 : vector<4x1024xi1>
    %or3A_117 = arith.ori %lt3A_113, %and3A_116 : vector<4x1024xi1>
    %select_n3A_118 = arith.select %or3A_117, %slice3A_109, %slice3A_110 : vector<4x1024xi1>, vector<4x1024xf32>
    %select_n3A_119 = arith.select %or3A_117, %slice3A_111, %slice3A_112 : vector<4x1024xi1>, vector<4x1024xf32>
    %slice3A_120 = vector.extract_strided_slice %select_n3A_118 {offsets = [0, 0], sizes = [2, 1024], strides = [1, 1]} : vector<4x1024xf32> to vector<2x1024xf32>
    %slice3A_121 = vector.extract_strided_slice %select_n3A_118 {offsets = [2, 0], sizes = [2, 1024], strides = [1, 1]} : vector<4x1024xf32> to vector<2x1024xf32>
    %slice3A_122 = vector.extract_strided_slice %select_n3A_119 {offsets = [0, 0], sizes = [2, 1024], strides = [1, 1]} : vector<4x1024xf32> to vector<2x1024xf32>
    %slice3A_123 = vector.extract_strided_slice %select_n3A_119 {offsets = [2, 0], sizes = [2, 1024], strides = [1, 1]} : vector<4x1024xf32> to vector<2x1024xf32>
    %lt3A_124 = arith.cmpf olt, %slice3A_120, %slice3A_121 : vector<2x1024xf32>
    %eq3A_125 = arith.cmpf oeq, %slice3A_120, %slice3A_121 : vector<2x1024xf32>
    %lt3A_126 = arith.cmpf olt, %slice3A_122, %slice3A_123 : vector<2x1024xf32>
    %and3A_127 = arith.andi %eq3A_125, %lt3A_126 : vector<2x1024xi1>
    %or3A_128 = arith.ori %lt3A_124, %and3A_127 : vector<2x1024xi1>
    %select_n3A_129 = arith.select %or3A_128, %slice3A_120, %slice3A_121 : vector<2x1024xi1>, vector<2x1024xf32>
    %select_n3A_130 = arith.select %or3A_128, %slice3A_122, %slice3A_123 : vector<2x1024xi1>, vector<2x1024xf32>
    %slice3A_131 = vector.extract_strided_slice %select_n3A_129 {offsets = [0, 0], sizes = [1, 1024], strides = [1, 1]} : vector<2x1024xf32> to vector<1x1024xf32>
    %slice3A_132 = vector.extract_strided_slice %select_n3A_129 {offsets = [1, 0], sizes = [1, 1024], strides = [1, 1]} : vector<2x1024xf32> to vector<1x1024xf32>
    %slice3A_133 = vector.extract_strided_slice %select_n3A_130 {offsets = [0, 0], sizes = [1, 1024], strides = [1, 1]} : vector<2x1024xf32> to vector<1x1024xf32>
    %slice3A_134 = vector.extract_strided_slice %select_n3A_130 {offsets = [1, 0], sizes = [1, 1024], strides = [1, 1]} : vector<2x1024xf32> to vector<1x1024xf32>
    %lt3A_135 = arith.cmpf olt, %slice3A_131, %slice3A_132 : vector<1x1024xf32>
    %eq3A_136 = arith.cmpf oeq, %slice3A_131, %slice3A_132 : vector<1x1024xf32>
    %lt3A_137 = arith.cmpf olt, %slice3A_133, %slice3A_134 : vector<1x1024xf32>
    %and3A_138 = arith.andi %eq3A_136, %lt3A_137 : vector<1x1024xi1>
    %or3A_139 = arith.ori %lt3A_135, %and3A_138 : vector<1x1024xi1>
    %select_n3A_140 = arith.select %or3A_139, %slice3A_131, %slice3A_132 : vector<1x1024xi1>, vector<1x1024xf32>
    %select_n3A_141 = arith.select %or3A_139, %slice3A_133, %slice3A_134 : vector<1x1024xi1>, vector<1x1024xf32>
    %convert_element_type3A_142 = arith.fptosi %select_n3A_141 : vector<1x1024xf32> to vector<1x1024xi32>
    %add3A_143 = arith.constant 1024 : i32
    %add3A_144 = vector.broadcast %add3A_143 : i32 to vector<1x1024xi32>
    %add3A_145 = arith.addi %convert_element_type3A_142, %add3A_144 : vector<1x1024xi32>
    %lt3A_146 = arith.cmpf olt, %select_n3A_140, %select_n3A_80 : vector<1x1024xf32>
    %select_n3A_147 = arith.select %lt3A_146, %select_n3A_140, %select_n3A_80 : vector<1x1024xi1>, vector<1x1024xf32>
    %select_n3A_148 = arith.select %lt3A_146, %add3A_145, %select_n3A_81 : vector<1x1024xi1>, vector<1x1024xi32>
    %get3A_149 = arith.constant 2048 : index
    %get3A_150 = arith.constant 0 : index
    %get3A_151 = vector.load %arg4[%get3A_149, %get3A_150] : memref<8192x32xf32, #tpu.memory_space<vmem>>, vector<1024x32xf32>
    %mul3A_152 = arith.mulf %get3A_151, %get3A_151 : vector<1024x32xf32>
    %reduce_sum3A_153 = arith.constant dense<0.000000e+00> : vector<1024xf32>
    %reduce_sum3A_154 = vector.multi_reduction <add>, %mul3A_152, %reduce_sum3A_153 [1] : vector<1024x32xf32> to vector<1024xf32>
    %broadcast_in_dim3A_155 = vector.shape_cast %reduce_sum3A_154 : vector<1024xf32> to vector<1024x1xf32>
    %add3A_156 = vector.broadcast %broadcast_in_dim3A : vector<1x1024xf32> to vector<1024x1024xf32>
    %add3A_157 = vector.broadcast %broadcast_in_dim3A_155 : vector<1024x1xf32> to vector<1024x1024xf32>
    %add3A_158 = arith.addf %add3A_156, %add3A_157 : vector<1024x1024xf32>
    %add3A_159 = arith.addf %get3A_151, %get3A_151 : vector<1024x32xf32>
    %dot_general3A_160 = arith.constant dense<0.000000e+00> : vector<1024x1024xf32>
    %dot_general3A_161 = tpu.matmul %add3A_159, %convert_element_type3A, %dot_general3A_160 {dimension_numbers = #tpu.dot_dimension_numbers<[1], [0], [0], [1], [0, 0, 1, 1], [], []>, transpose_lhs_hint = false} : vector<1024x32xf32>, vector<32x1024xbf16>, vector<1024x1024xf32> -> vector<1024x1024xf32>
    %sub3A_162 = arith.subf %add3A_158, %dot_general3A_161 : vector<1024x1024xf32>
    %swap3A_163 = arith.constant 0 : index
    %swap3A_164 = arith.constant 0 : index
    %swap3A_165 = vector.load %arg7[%swap3A_163, %swap3A_164] : memref<1024x1024xf32, #tpu.memory_space<vmem>>, vector<1024x1024xf32>
    tpu.vector_store %arg7[%swap3A_163, %swap3A_164], %sub3A_162 {strides = array<i32>} : memref<1024x1024xf32, #tpu.memory_space<vmem>>, vector<1024x1024xf32>,
    %broadcast_in_dim3A_166 = arith.constant 0x7F800000 : f32
    %broadcast_in_dim3A_167 = vector.broadcast %broadcast_in_dim3A_166 : f32 to vector<8x1024xf32>
    %broadcast_in_dim3A_168 = arith.constant 0.000000e+00 : f32
    %broadcast_in_dim3A_169 = vector.broadcast %broadcast_in_dim3A_168 : f32 to vector<8x1024xf32>
    %scan3A_170 = arith.constant 0 : i32
    %scan3A_171 = arith.constant 128 : i32
    %scan3A_172 = arith.addi %scan3A_170, %scan3A_171 : i32
    %scan3A_173 = arith.constant 8 : i32
    %scan3A_174:2 = scf.for %scan3A_569 = %scan3A_170 to %scan3A_172 step %scan3A_173 iter_args(%scan3A_570 = %broadcast_in_dim3A_167, %scan3A_571 = %broadcast_in_dim3A_169) -> (vector<8x1024xf32>, vector<8x1024xf32>)  : i32 {
      %mul3A_572 = arith.constant 8 : i32
      %mul3A_573 = arith.muli %scan3A_569, %mul3A_572 : i32
      %multiple_of3A = tpu.assume_multiple %mul3A_573, 8 : i32
      %get3A_574 = arith.index_cast %multiple_of3A : i32 to index
      %get3A_575 = arith.constant 0 : index
      %get3A_576 = vector.load %arg7[%get3A_574, %get3A_575] : memref<1024x1024xf32, #tpu.memory_space<vmem>>, vector<8x1024xf32>
      %mul3A_577 = arith.constant 8 : i32
      %mul3A_578 = arith.muli %scan3A_569, %mul3A_577 : i32
      %convert_element_type3A_579 = arith.sitofp %mul3A_578 : i32 to f32
      %add3A_580 = vector.broadcast %convert_element_type3A_579 : f32 to vector<8x1024xf32>
      %add3A_581 = arith.addf %convert_element_type3A_18, %add3A_580 : vector<8x1024xf32>
      %lt3A_582 = arith.cmpf olt, %get3A_576, %scan3A_570 : vector<8x1024xf32>
      %select_n3A_583 = arith.select %lt3A_582, %get3A_576, %scan3A_570 : vector<8x1024xi1>, vector<8x1024xf32>
      %select_n3A_584 = arith.select %lt3A_582, %add3A_581, %scan3A_571 : vector<8x1024xi1>, vector<8x1024xf32>
      %scan3A_585 = arith.constant 1 : i32
      %scan3A_586 = arith.addi %scan3A_569, %scan3A_585 : i32
      %mul3A_587 = arith.constant 8 : i32
      %mul3A_588 = arith.muli %scan3A_586, %mul3A_587 : i32
      %multiple_of3A_589 = tpu.assume_multiple %mul3A_588, 8 : i32
      %get3A_590 = arith.index_cast %multiple_of3A_589 : i32 to index
      %get3A_591 = arith.constant 0 : index
      %get3A_592 = vector.load %arg7[%get3A_590, %get3A_591] : memref<1024x1024xf32, #tpu.memory_space<vmem>>, vector<8x1024xf32>
      %mul3A_593 = arith.constant 8 : i32
      %mul3A_594 = arith.muli %scan3A_586, %mul3A_593 : i32
      %convert_element_type3A_595 = arith.sitofp %mul3A_594 : i32 to f32
      %add3A_596 = vector.broadcast %convert_element_type3A_595 : f32 to vector<8x1024xf32>
      %add3A_597 = arith.addf %convert_element_type3A_18, %add3A_596 : vector<8x1024xf32>
      %lt3A_598 = arith.cmpf olt, %get3A_592, %select_n3A_583 : vector<8x1024xf32>
      %select_n3A_599 = arith.select %lt3A_598, %get3A_592, %select_n3A_583 : vector<8x1024xi1>, vector<8x1024xf32>
      %select_n3A_600 = arith.select %lt3A_598, %add3A_597, %select_n3A_584 : vector<8x1024xi1>, vector<8x1024xf32>
      %scan3A_601 = arith.constant 2 : i32
      %scan3A_602 = arith.addi %scan3A_569, %scan3A_601 : i32
      %mul3A_603 = arith.constant 8 : i32
      %mul3A_604 = arith.muli %scan3A_602, %mul3A_603 : i32
      %multiple_of3A_605 = tpu.assume_multiple %mul3A_604, 8 : i32
      %get3A_606 = arith.index_cast %multiple_of3A_605 : i32 to index
      %get3A_607 = arith.constant 0 : index
      %get3A_608 = vector.load %arg7[%get3A_606, %get3A_607] : memref<1024x1024xf32, #tpu.memory_space<vmem>>, vector<8x1024xf32>
      %mul3A_609 = arith.constant 8 : i32
      %mul3A_610 = arith.muli %scan3A_602, %mul3A_609 : i32
      %convert_element_type3A_611 = arith.sitofp %mul3A_610 : i32 to f32
      %add3A_612 = vector.broadcast %convert_element_type3A_611 : f32 to vector<8x1024xf32>
      %add3A_613 = arith.addf %convert_element_type3A_18, %add3A_612 : vector<8x1024xf32>
      %lt3A_614 = arith.cmpf olt, %get3A_608, %select_n3A_599 : vector<8x1024xf32>
      %select_n3A_615 = arith.select %lt3A_614, %get3A_608, %select_n3A_599 : vector<8x1024xi1>, vector<8x1024xf32>
      %select_n3A_616 = arith.select %lt3A_614, %add3A_613, %select_n3A_600 : vector<8x1024xi1>, vector<8x1024xf32>
      %scan3A_617 = arith.constant 3 : i32
      %scan3A_618 = arith.addi %scan3A_569, %scan3A_617 : i32
      %mul3A_619 = arith.constant 8 : i32
      %mul3A_620 = arith.muli %scan3A_618, %mul3A_619 : i32
      %multiple_of3A_621 = tpu.assume_multiple %mul3A_620, 8 : i32
      %get3A_622 = arith.index_cast %multiple_of3A_621 : i32 to index
      %get3A_623 = arith.constant 0 : index
      %get3A_624 = vector.load %arg7[%get3A_622, %get3A_623] : memref<1024x1024xf32, #tpu.memory_space<vmem>>, vector<8x1024xf32>
      %mul3A_625 = arith.constant 8 : i32
      %mul3A_626 = arith.muli %scan3A_618, %mul3A_625 : i32
      %convert_element_type3A_627 = arith.sitofp %mul3A_626 : i32 to f32
      %add3A_628 = vector.broadcast %convert_element_type3A_627 : f32 to vector<8x1024xf32>
      %add3A_629 = arith.addf %convert_element_type3A_18, %add3A_628 : vector<8x1024xf32>
      %lt3A_630 = arith.cmpf olt, %get3A_624, %select_n3A_615 : vector<8x1024xf32>
      %select_n3A_631 = arith.select %lt3A_630, %get3A_624, %select_n3A_615 : vector<8x1024xi1>, vector<8x1024xf32>
      %select_n3A_632 = arith.select %lt3A_630, %add3A_629, %select_n3A_616 : vector<8x1024xi1>, vector<8x1024xf32>
      %scan3A_633 = arith.constant 4 : i32
      %scan3A_634 = arith.addi %scan3A_569, %scan3A_633 : i32
      %mul3A_635 = arith.constant 8 : i32
      %mul3A_636 = arith.muli %scan3A_634, %mul3A_635 : i32
      %multiple_of3A_637 = tpu.assume_multiple %mul3A_636, 8 : i32
      %get3A_638 = arith.index_cast %multiple_of3A_637 : i32 to index
      %get3A_639 = arith.constant 0 : index
      %get3A_640 = vector.load %arg7[%get3A_638, %get3A_639] : memref<1024x1024xf32, #tpu.memory_space<vmem>>, vector<8x1024xf32>
      %mul3A_641 = arith.constant 8 : i32
      %mul3A_642 = arith.muli %scan3A_634, %mul3A_641 : i32
      %convert_element_type3A_643 = arith.sitofp %mul3A_642 : i32 to f32
      %add3A_644 = vector.broadcast %convert_element_type3A_643 : f32 to vector<8x1024xf32>
      %add3A_645 = arith.addf %convert_element_type3A_18, %add3A_644 : vector<8x1024xf32>
      %lt3A_646 = arith.cmpf olt, %get3A_640, %select_n3A_631 : vector<8x1024xf32>
      %select_n3A_647 = arith.select %lt3A_646, %get3A_640, %select_n3A_631 : vector<8x1024xi1>, vector<8x1024xf32>
      %select_n3A_648 = arith.select %lt3A_646, %add3A_645, %select_n3A_632 : vector<8x1024xi1>, vector<8x1024xf32>
      %scan3A_649 = arith.constant 5 : i32
      %scan3A_650 = arith.addi %scan3A_569, %scan3A_649 : i32
      %mul3A_651 = arith.constant 8 : i32
      %mul3A_652 = arith.muli %scan3A_650, %mul3A_651 : i32
      %multiple_of3A_653 = tpu.assume_multiple %mul3A_652, 8 : i32
      %get3A_654 = arith.index_cast %multiple_of3A_653 : i32 to index
      %get3A_655 = arith.constant 0 : index
      %get3A_656 = vector.load %arg7[%get3A_654, %get3A_655] : memref<1024x1024xf32, #tpu.memory_space<vmem>>, vector<8x1024xf32>
      %mul3A_657 = arith.constant 8 : i32
      %mul3A_658 = arith.muli %scan3A_650, %mul3A_657 : i32
      %convert_element_type3A_659 = arith.sitofp %mul3A_658 : i32 to f32
      %add3A_660 = vector.broadcast %convert_element_type3A_659 : f32 to vector<8x1024xf32>
      %add3A_661 = arith.addf %convert_element_type3A_18, %add3A_660 : vector<8x1024xf32>
      %lt3A_662 = arith.cmpf olt, %get3A_656, %select_n3A_647 : vector<8x1024xf32>
      %select_n3A_663 = arith.select %lt3A_662, %get3A_656, %select_n3A_647 : vector<8x1024xi1>, vector<8x1024xf32>
      %select_n3A_664 = arith.select %lt3A_662, %add3A_661, %select_n3A_648 : vector<8x1024xi1>, vector<8x1024xf32>
      %scan3A_665 = arith.constant 6 : i32
      %scan3A_666 = arith.addi %scan3A_569, %scan3A_665 : i32
      %mul3A_667 = arith.constant 8 : i32
      %mul3A_668 = arith.muli %scan3A_666, %mul3A_667 : i32
      %multiple_of3A_669 = tpu.assume_multiple %mul3A_668, 8 : i32
      %get3A_670 = arith.index_cast %multiple_of3A_669 : i32 to index
      %get3A_671 = arith.constant 0 : index
      %get3A_672 = vector.load %arg7[%get3A_670, %get3A_671] : memref<1024x1024xf32, #tpu.memory_space<vmem>>, vector<8x1024xf32>
      %mul3A_673 = arith.constant 8 : i32
      %mul3A_674 = arith.muli %scan3A_666, %mul3A_673 : i32
      %convert_element_type3A_675 = arith.sitofp %mul3A_674 : i32 to f32
      %add3A_676 = vector.broadcast %convert_element_type3A_675 : f32 to vector<8x1024xf32>
      %add3A_677 = arith.addf %convert_element_type3A_18, %add3A_676 : vector<8x1024xf32>
      %lt3A_678 = arith.cmpf olt, %get3A_672, %select_n3A_663 : vector<8x1024xf32>
      %select_n3A_679 = arith.select %lt3A_678, %get3A_672, %select_n3A_663 : vector<8x1024xi1>, vector<8x1024xf32>
      %select_n3A_680 = arith.select %lt3A_678, %add3A_677, %select_n3A_664 : vector<8x1024xi1>, vector<8x1024xf32>
      %scan3A_681 = arith.constant 7 : i32
      %scan3A_682 = arith.addi %scan3A_569, %scan3A_681 : i32
      %mul3A_683 = arith.constant 8 : i32
      %mul3A_684 = arith.muli %scan3A_682, %mul3A_683 : i32
      %multiple_of3A_685 = tpu.assume_multiple %mul3A_684, 8 : i32
      %get3A_686 = arith.index_cast %multiple_of3A_685 : i32 to index
      %get3A_687 = arith.constant 0 : index
      %get3A_688 = vector.load %arg7[%get3A_686, %get3A_687] : memref<1024x1024xf32, #tpu.memory_space<vmem>>, vector<8x1024xf32>
      %mul3A_689 = arith.constant 8 : i32
      %mul3A_690 = arith.muli %scan3A_682, %mul3A_689 : i32
      %convert_element_type3A_691 = arith.sitofp %mul3A_690 : i32 to f32
      %add3A_692 = vector.broadcast %convert_element_type3A_691 : f32 to vector<8x1024xf32>
      %add3A_693 = arith.addf %convert_element_type3A_18, %add3A_692 : vector<8x1024xf32>
      %lt3A_694 = arith.cmpf olt, %get3A_688, %select_n3A_679 : vector<8x1024xf32>
      %select_n3A_695 = arith.select %lt3A_694, %get3A_688, %select_n3A_679 : vector<8x1024xi1>, vector<8x1024xf32>
      %select_n3A_696 = arith.select %lt3A_694, %add3A_693, %select_n3A_680 : vector<8x1024xi1>, vector<8x1024xf32>
      scf.yield %select_n3A_695, %select_n3A_696 : vector<8x1024xf32>, vector<8x1024xf32>
    }
    %scan3A_175 = arith.constant 128 : i32
    %slice3A_176 = vector.extract_strided_slice %scan3A_174#0 {offsets = [0, 0], sizes = [4, 1024], strides = [1, 1]} : vector<8x1024xf32> to vector<4x1024xf32>
    %slice3A_177 = vector.extract_strided_slice %scan3A_174#0 {offsets = [4, 0], sizes = [4, 1024], strides = [1, 1]} : vector<8x1024xf32> to vector<4x1024xf32>
    %slice3A_178 = vector.extract_strided_slice %scan3A_174#1 {offsets = [0, 0], sizes = [4, 1024], strides = [1, 1]} : vector<8x1024xf32> to vector<4x1024xf32>
    %slice3A_179 = vector.extract_strided_slice %scan3A_174#1 {offsets = [4, 0], sizes = [4, 1024], strides = [1, 1]} : vector<8x1024xf32> to vector<4x1024xf32>
    %lt3A_180 = arith.cmpf olt, %slice3A_176, %slice3A_177 : vector<4x1024xf32>
    %eq3A_181 = arith.cmpf oeq, %slice3A_176, %slice3A_177 : vector<4x1024xf32>
    %lt3A_182 = arith.cmpf olt, %slice3A_178, %slice3A_179 : vector<4x1024xf32>
    %and3A_183 = arith.andi %eq3A_181, %lt3A_182 : vector<4x1024xi1>
    %or3A_184 = arith.ori %lt3A_180, %and3A_183 : vector<4x1024xi1>
    %select_n3A_185 = arith.select %or3A_184, %slice3A_176, %slice3A_177 : vector<4x1024xi1>, vector<4x1024xf32>
    %select_n3A_186 = arith.select %or3A_184, %slice3A_178, %slice3A_179 : vector<4x1024xi1>, vector<4x1024xf32>
    %slice3A_187 = vector.extract_strided_slice %select_n3A_185 {offsets = [0, 0], sizes = [2, 1024], strides = [1, 1]} : vector<4x1024xf32> to vector<2x1024xf32>
    %slice3A_188 = vector.extract_strided_slice %select_n3A_185 {offsets = [2, 0], sizes = [2, 1024], strides = [1, 1]} : vector<4x1024xf32> to vector<2x1024xf32>
    %slice3A_189 = vector.extract_strided_slice %select_n3A_186 {offsets = [0, 0], sizes = [2, 1024], strides = [1, 1]} : vector<4x1024xf32> to vector<2x1024xf32>
    %slice3A_190 = vector.extract_strided_slice %select_n3A_186 {offsets = [2, 0], sizes = [2, 1024], strides = [1, 1]} : vector<4x1024xf32> to vector<2x1024xf32>
    %lt3A_191 = arith.cmpf olt, %slice3A_187, %slice3A_188 : vector<2x1024xf32>
    %eq3A_192 = arith.cmpf oeq, %slice3A_187, %slice3A_188 : vector<2x1024xf32>
    %lt3A_193 = arith.cmpf olt, %slice3A_189, %slice3A_190 : vector<2x1024xf32>
    %and3A_194 = arith.andi %eq3A_192, %lt3A_193 : vector<2x1024xi1>
    %or3A_195 = arith.ori %lt3A_191, %and3A_194 : vector<2x1024xi1>
    %select_n3A_196 = arith.select %or3A_195, %slice3A_187, %slice3A_188 : vector<2x1024xi1>, vector<2x1024xf32>
    %select_n3A_197 = arith.select %or3A_195, %slice3A_189, %slice3A_190 : vector<2x1024xi1>, vector<2x1024xf32>
    %slice3A_198 = vector.extract_strided_slice %select_n3A_196 {offsets = [0, 0], sizes = [1, 1024], strides = [1, 1]} : vector<2x1024xf32> to vector<1x1024xf32>
    %slice3A_199 = vector.extract_strided_slice %select_n3A_196 {offsets = [1, 0], sizes = [1, 1024], strides = [1, 1]} : vector<2x1024xf32> to vector<1x1024xf32>
    %slice3A_200 = vector.extract_strided_slice %select_n3A_197 {offsets = [0, 0], sizes = [1, 1024], strides = [1, 1]} : vector<2x1024xf32> to vector<1x1024xf32>
    %slice3A_201 = vector.extract_strided_slice %select_n3A_197 {offsets = [1, 0], sizes = [1, 1024], strides = [1, 1]} : vector<2x1024xf32> to vector<1x1024xf32>
    %lt3A_202 = arith.cmpf olt, %slice3A_198, %slice3A_199 : vector<1x1024xf32>
    %eq3A_203 = arith.cmpf oeq, %slice3A_198, %slice3A_199 : vector<1x1024xf32>
    %lt3A_204 = arith.cmpf olt, %slice3A_200, %slice3A_201 : vector<1x1024xf32>
    %and3A_205 = arith.andi %eq3A_203, %lt3A_204 : vector<1x1024xi1>
    %or3A_206 = arith.ori %lt3A_202, %and3A_205 : vector<1x1024xi1>
    %select_n3A_207 = arith.select %or3A_206, %slice3A_198, %slice3A_199 : vector<1x1024xi1>, vector<1x1024xf32>
    %select_n3A_208 = arith.select %or3A_206, %slice3A_200, %slice3A_201 : vector<1x1024xi1>, vector<1x1024xf32>
    %convert_element_type3A_209 = arith.fptosi %select_n3A_208 : vector<1x1024xf32> to vector<1x1024xi32>
    %add3A_210 = arith.constant 2048 : i32
    %add3A_211 = vector.broadcast %add3A_210 : i32 to vector<1x1024xi32>
    %add3A_212 = arith.addi %convert_element_type3A_209, %add3A_211 : vector<1x1024xi32>
    %lt3A_213 = arith.cmpf olt, %select_n3A_207, %select_n3A_147 : vector<1x1024xf32>
    %select_n3A_214 = arith.select %lt3A_213, %select_n3A_207, %select_n3A_147 : vector<1x1024xi1>, vector<1x1024xf32>
    %select_n3A_215 = arith.select %lt3A_213, %add3A_212, %select_n3A_148 : vector<1x1024xi1>, vector<1x1024xi32>
    %get3A_216 = arith.constant 3072 : index
    %get3A_217 = arith.constant 0 : index
    %get3A_218 = vector.load %arg4[%get3A_216, %get3A_217] : memref<8192x32xf32, #tpu.memory_space<vmem>>, vector<1024x32xf32>
    %mul3A_219 = arith.mulf %get3A_218, %get3A_218 : vector<1024x32xf32>
    %reduce_sum3A_220 = arith.constant dense<0.000000e+00> : vector<1024xf32>
    %reduce_sum3A_221 = vector.multi_reduction <add>, %mul3A_219, %reduce_sum3A_220 [1] : vector<1024x32xf32> to vector<1024xf32>
    %broadcast_in_dim3A_222 = vector.shape_cast %reduce_sum3A_221 : vector<1024xf32> to vector<1024x1xf32>
    %add3A_223 = vector.broadcast %broadcast_in_dim3A : vector<1x1024xf32> to vector<1024x1024xf32>
    %add3A_224 = vector.broadcast %broadcast_in_dim3A_222 : vector<1024x1xf32> to vector<1024x1024xf32>
    %add3A_225 = arith.addf %add3A_223, %add3A_224 : vector<1024x1024xf32>
    %add3A_226 = arith.addf %get3A_218, %get3A_218 : vector<1024x32xf32>
    %dot_general3A_227 = arith.constant dense<0.000000e+00> : vector<1024x1024xf32>
    %dot_general3A_228 = tpu.matmul %add3A_226, %convert_element_type3A, %dot_general3A_227 {dimension_numbers = #tpu.dot_dimension_numbers<[1], [0], [0], [1], [0, 0, 1, 1], [], []>, transpose_lhs_hint = false} : vector<1024x32xf32>, vector<32x1024xbf16>, vector<1024x1024xf32> -> vector<1024x1024xf32>
    %sub3A_229 = arith.subf %add3A_225, %dot_general3A_228 : vector<1024x1024xf32>
    %swap3A_230 = arith.constant 0 : index
    %swap3A_231 = arith.constant 0 : index
    %swap3A_232 = vector.load %arg7[%swap3A_230, %swap3A_231] : memref<1024x1024xf32, #tpu.memory_space<vmem>>, vector<1024x1024xf32>
    tpu.vector_store %arg7[%swap3A_230, %swap3A_231], %sub3A_229 {strides = array<i32>} : memref<1024x1024xf32, #tpu.memory_space<vmem>>, vector<1024x1024xf32>,
    %broadcast_in_dim3A_233 = arith.constant 0x7F800000 : f32
    %broadcast_in_dim3A_234 = vector.broadcast %broadcast_in_dim3A_233 : f32 to vector<8x1024xf32>
    %broadcast_in_dim3A_235 = arith.constant 0.000000e+00 : f32
    %broadcast_in_dim3A_236 = vector.broadcast %broadcast_in_dim3A_235 : f32 to vector<8x1024xf32>
    %scan3A_237 = arith.constant 0 : i32
    %scan3A_238 = arith.constant 128 : i32
    %scan3A_239 = arith.addi %scan3A_237, %scan3A_238 : i32
    %scan3A_240 = arith.constant 8 : i32
    %scan3A_241:2 = scf.for %scan3A_569 = %scan3A_237 to %scan3A_239 step %scan3A_240 iter_args(%scan3A_570 = %broadcast_in_dim3A_234, %scan3A_571 = %broadcast_in_dim3A_236) -> (vector<8x1024xf32>, vector<8x1024xf32>)  : i32 {
      %mul3A_572 = arith.constant 8 : i32
      %mul3A_573 = arith.muli %scan3A_569, %mul3A_572 : i32
      %multiple_of3A = tpu.assume_multiple %mul3A_573, 8 : i32
      %get3A_574 = arith.index_cast %multiple_of3A : i32 to index
      %get3A_575 = arith.constant 0 : index
      %get3A_576 = vector.load %arg7[%get3A_574, %get3A_575] : memref<1024x1024xf32, #tpu.memory_space<vmem>>, vector<8x1024xf32>
      %mul3A_577 = arith.constant 8 : i32
      %mul3A_578 = arith.muli %scan3A_569, %mul3A_577 : i32
      %convert_element_type3A_579 = arith.sitofp %mul3A_578 : i32 to f32
      %add3A_580 = vector.broadcast %convert_element_type3A_579 : f32 to vector<8x1024xf32>
      %add3A_581 = arith.addf %convert_element_type3A_18, %add3A_580 : vector<8x1024xf32>
      %lt3A_582 = arith.cmpf olt, %get3A_576, %scan3A_570 : vector<8x1024xf32>
      %select_n3A_583 = arith.select %lt3A_582, %get3A_576, %scan3A_570 : vector<8x1024xi1>, vector<8x1024xf32>
      %select_n3A_584 = arith.select %lt3A_582, %add3A_581, %scan3A_571 : vector<8x1024xi1>, vector<8x1024xf32>
      %scan3A_585 = arith.constant 1 : i32
      %scan3A_586 = arith.addi %scan3A_569, %scan3A_585 : i32
      %mul3A_587 = arith.constant 8 : i32
      %mul3A_588 = arith.muli %scan3A_586, %mul3A_587 : i32
      %multiple_of3A_589 = tpu.assume_multiple %mul3A_588, 8 : i32
      %get3A_590 = arith.index_cast %multiple_of3A_589 : i32 to index
      %get3A_591 = arith.constant 0 : index
      %get3A_592 = vector.load %arg7[%get3A_590, %get3A_591] : memref<1024x1024xf32, #tpu.memory_space<vmem>>, vector<8x1024xf32>
      %mul3A_593 = arith.constant 8 : i32
      %mul3A_594 = arith.muli %scan3A_586, %mul3A_593 : i32
      %convert_element_type3A_595 = arith.sitofp %mul3A_594 : i32 to f32
      %add3A_596 = vector.broadcast %convert_element_type3A_595 : f32 to vector<8x1024xf32>
      %add3A_597 = arith.addf %convert_element_type3A_18, %add3A_596 : vector<8x1024xf32>
      %lt3A_598 = arith.cmpf olt, %get3A_592, %select_n3A_583 : vector<8x1024xf32>
      %select_n3A_599 = arith.select %lt3A_598, %get3A_592, %select_n3A_583 : vector<8x1024xi1>, vector<8x1024xf32>
      %select_n3A_600 = arith.select %lt3A_598, %add3A_597, %select_n3A_584 : vector<8x1024xi1>, vector<8x1024xf32>
      %scan3A_601 = arith.constant 2 : i32
      %scan3A_602 = arith.addi %scan3A_569, %scan3A_601 : i32
      %mul3A_603 = arith.constant 8 : i32
      %mul3A_604 = arith.muli %scan3A_602, %mul3A_603 : i32
      %multiple_of3A_605 = tpu.assume_multiple %mul3A_604, 8 : i32
      %get3A_606 = arith.index_cast %multiple_of3A_605 : i32 to index
      %get3A_607 = arith.constant 0 : index
      %get3A_608 = vector.load %arg7[%get3A_606, %get3A_607] : memref<1024x1024xf32, #tpu.memory_space<vmem>>, vector<8x1024xf32>
      %mul3A_609 = arith.constant 8 : i32
      %mul3A_610 = arith.muli %scan3A_602, %mul3A_609 : i32
      %convert_element_type3A_611 = arith.sitofp %mul3A_610 : i32 to f32
      %add3A_612 = vector.broadcast %convert_element_type3A_611 : f32 to vector<8x1024xf32>
      %add3A_613 = arith.addf %convert_element_type3A_18, %add3A_612 : vector<8x1024xf32>
      %lt3A_614 = arith.cmpf olt, %get3A_608, %select_n3A_599 : vector<8x1024xf32>
      %select_n3A_615 = arith.select %lt3A_614, %get3A_608, %select_n3A_599 : vector<8x1024xi1>, vector<8x1024xf32>
      %select_n3A_616 = arith.select %lt3A_614, %add3A_613, %select_n3A_600 : vector<8x1024xi1>, vector<8x1024xf32>
      %scan3A_617 = arith.constant 3 : i32
      %scan3A_618 = arith.addi %scan3A_569, %scan3A_617 : i32
      %mul3A_619 = arith.constant 8 : i32
      %mul3A_620 = arith.muli %scan3A_618, %mul3A_619 : i32
      %multiple_of3A_621 = tpu.assume_multiple %mul3A_620, 8 : i32
      %get3A_622 = arith.index_cast %multiple_of3A_621 : i32 to index
      %get3A_623 = arith.constant 0 : index
      %get3A_624 = vector.load %arg7[%get3A_622, %get3A_623] : memref<1024x1024xf32, #tpu.memory_space<vmem>>, vector<8x1024xf32>
      %mul3A_625 = arith.constant 8 : i32
      %mul3A_626 = arith.muli %scan3A_618, %mul3A_625 : i32
      %convert_element_type3A_627 = arith.sitofp %mul3A_626 : i32 to f32
      %add3A_628 = vector.broadcast %convert_element_type3A_627 : f32 to vector<8x1024xf32>
      %add3A_629 = arith.addf %convert_element_type3A_18, %add3A_628 : vector<8x1024xf32>
      %lt3A_630 = arith.cmpf olt, %get3A_624, %select_n3A_615 : vector<8x1024xf32>
      %select_n3A_631 = arith.select %lt3A_630, %get3A_624, %select_n3A_615 : vector<8x1024xi1>, vector<8x1024xf32>
      %select_n3A_632 = arith.select %lt3A_630, %add3A_629, %select_n3A_616 : vector<8x1024xi1>, vector<8x1024xf32>
      %scan3A_633 = arith.constant 4 : i32
      %scan3A_634 = arith.addi %scan3A_569, %scan3A_633 : i32
      %mul3A_635 = arith.constant 8 : i32
      %mul3A_636 = arith.muli %scan3A_634, %mul3A_635 : i32
      %multiple_of3A_637 = tpu.assume_multiple %mul3A_636, 8 : i32
      %get3A_638 = arith.index_cast %multiple_of3A_637 : i32 to index
      %get3A_639 = arith.constant 0 : index
      %get3A_640 = vector.load %arg7[%get3A_638, %get3A_639] : memref<1024x1024xf32, #tpu.memory_space<vmem>>, vector<8x1024xf32>
      %mul3A_641 = arith.constant 8 : i32
      %mul3A_642 = arith.muli %scan3A_634, %mul3A_641 : i32
      %convert_element_type3A_643 = arith.sitofp %mul3A_642 : i32 to f32
      %add3A_644 = vector.broadcast %convert_element_type3A_643 : f32 to vector<8x1024xf32>
      %add3A_645 = arith.addf %convert_element_type3A_18, %add3A_644 : vector<8x1024xf32>
      %lt3A_646 = arith.cmpf olt, %get3A_640, %select_n3A_631 : vector<8x1024xf32>
      %select_n3A_647 = arith.select %lt3A_646, %get3A_640, %select_n3A_631 : vector<8x1024xi1>, vector<8x1024xf32>
      %select_n3A_648 = arith.select %lt3A_646, %add3A_645, %select_n3A_632 : vector<8x1024xi1>, vector<8x1024xf32>
      %scan3A_649 = arith.constant 5 : i32
      %scan3A_650 = arith.addi %scan3A_569, %scan3A_649 : i32
      %mul3A_651 = arith.constant 8 : i32
      %mul3A_652 = arith.muli %scan3A_650, %mul3A_651 : i32
      %multiple_of3A_653 = tpu.assume_multiple %mul3A_652, 8 : i32
      %get3A_654 = arith.index_cast %multiple_of3A_653 : i32 to index
      %get3A_655 = arith.constant 0 : index
      %get3A_656 = vector.load %arg7[%get3A_654, %get3A_655] : memref<1024x1024xf32, #tpu.memory_space<vmem>>, vector<8x1024xf32>
      %mul3A_657 = arith.constant 8 : i32
      %mul3A_658 = arith.muli %scan3A_650, %mul3A_657 : i32
      %convert_element_type3A_659 = arith.sitofp %mul3A_658 : i32 to f32
      %add3A_660 = vector.broadcast %convert_element_type3A_659 : f32 to vector<8x1024xf32>
      %add3A_661 = arith.addf %convert_element_type3A_18, %add3A_660 : vector<8x1024xf32>
      %lt3A_662 = arith.cmpf olt, %get3A_656, %select_n3A_647 : vector<8x1024xf32>
      %select_n3A_663 = arith.select %lt3A_662, %get3A_656, %select_n3A_647 : vector<8x1024xi1>, vector<8x1024xf32>
      %select_n3A_664 = arith.select %lt3A_662, %add3A_661, %select_n3A_648 : vector<8x1024xi1>, vector<8x1024xf32>
      %scan3A_665 = arith.constant 6 : i32
      %scan3A_666 = arith.addi %scan3A_569, %scan3A_665 : i32
      %mul3A_667 = arith.constant 8 : i32
      %mul3A_668 = arith.muli %scan3A_666, %mul3A_667 : i32
      %multiple_of3A_669 = tpu.assume_multiple %mul3A_668, 8 : i32
      %get3A_670 = arith.index_cast %multiple_of3A_669 : i32 to index
      %get3A_671 = arith.constant 0 : index
      %get3A_672 = vector.load %arg7[%get3A_670, %get3A_671] : memref<1024x1024xf32, #tpu.memory_space<vmem>>, vector<8x1024xf32>
      %mul3A_673 = arith.constant 8 : i32
      %mul3A_674 = arith.muli %scan3A_666, %mul3A_673 : i32
      %convert_element_type3A_675 = arith.sitofp %mul3A_674 : i32 to f32
      %add3A_676 = vector.broadcast %convert_element_type3A_675 : f32 to vector<8x1024xf32>
      %add3A_677 = arith.addf %convert_element_type3A_18, %add3A_676 : vector<8x1024xf32>
      %lt3A_678 = arith.cmpf olt, %get3A_672, %select_n3A_663 : vector<8x1024xf32>
      %select_n3A_679 = arith.select %lt3A_678, %get3A_672, %select_n3A_663 : vector<8x1024xi1>, vector<8x1024xf32>
      %select_n3A_680 = arith.select %lt3A_678, %add3A_677, %select_n3A_664 : vector<8x1024xi1>, vector<8x1024xf32>
      %scan3A_681 = arith.constant 7 : i32
      %scan3A_682 = arith.addi %scan3A_569, %scan3A_681 : i32
      %mul3A_683 = arith.constant 8 : i32
      %mul3A_684 = arith.muli %scan3A_682, %mul3A_683 : i32
      %multiple_of3A_685 = tpu.assume_multiple %mul3A_684, 8 : i32
      %get3A_686 = arith.index_cast %multiple_of3A_685 : i32 to index
      %get3A_687 = arith.constant 0 : index
      %get3A_688 = vector.load %arg7[%get3A_686, %get3A_687] : memref<1024x1024xf32, #tpu.memory_space<vmem>>, vector<8x1024xf32>
      %mul3A_689 = arith.constant 8 : i32
      %mul3A_690 = arith.muli %scan3A_682, %mul3A_689 : i32
      %convert_element_type3A_691 = arith.sitofp %mul3A_690 : i32 to f32
      %add3A_692 = vector.broadcast %convert_element_type3A_691 : f32 to vector<8x1024xf32>
      %add3A_693 = arith.addf %convert_element_type3A_18, %add3A_692 : vector<8x1024xf32>
      %lt3A_694 = arith.cmpf olt, %get3A_688, %select_n3A_679 : vector<8x1024xf32>
      %select_n3A_695 = arith.select %lt3A_694, %get3A_688, %select_n3A_679 : vector<8x1024xi1>, vector<8x1024xf32>
      %select_n3A_696 = arith.select %lt3A_694, %add3A_693, %select_n3A_680 : vector<8x1024xi1>, vector<8x1024xf32>
      scf.yield %select_n3A_695, %select_n3A_696 : vector<8x1024xf32>, vector<8x1024xf32>
    }
    %scan3A_242 = arith.constant 128 : i32
    %slice3A_243 = vector.extract_strided_slice %scan3A_241#0 {offsets = [0, 0], sizes = [4, 1024], strides = [1, 1]} : vector<8x1024xf32> to vector<4x1024xf32>
    %slice3A_244 = vector.extract_strided_slice %scan3A_241#0 {offsets = [4, 0], sizes = [4, 1024], strides = [1, 1]} : vector<8x1024xf32> to vector<4x1024xf32>
    %slice3A_245 = vector.extract_strided_slice %scan3A_241#1 {offsets = [0, 0], sizes = [4, 1024], strides = [1, 1]} : vector<8x1024xf32> to vector<4x1024xf32>
    %slice3A_246 = vector.extract_strided_slice %scan3A_241#1 {offsets = [4, 0], sizes = [4, 1024], strides = [1, 1]} : vector<8x1024xf32> to vector<4x1024xf32>
    %lt3A_247 = arith.cmpf olt, %slice3A_243, %slice3A_244 : vector<4x1024xf32>
    %eq3A_248 = arith.cmpf oeq, %slice3A_243, %slice3A_244 : vector<4x1024xf32>
    %lt3A_249 = arith.cmpf olt, %slice3A_245, %slice3A_246 : vector<4x1024xf32>
    %and3A_250 = arith.andi %eq3A_248, %lt3A_249 : vector<4x1024xi1>
    %or3A_251 = arith.ori %lt3A_247, %and3A_250 : vector<4x1024xi1>
    %select_n3A_252 = arith.select %or3A_251, %slice3A_243, %slice3A_244 : vector<4x1024xi1>, vector<4x1024xf32>
    %select_n3A_253 = arith.select %or3A_251, %slice3A_245, %slice3A_246 : vector<4x1024xi1>, vector<4x1024xf32>
    %slice3A_254 = vector.extract_strided_slice %select_n3A_252 {offsets = [0, 0], sizes = [2, 1024], strides = [1, 1]} : vector<4x1024xf32> to vector<2x1024xf32>
    %slice3A_255 = vector.extract_strided_slice %select_n3A_252 {offsets = [2, 0], sizes = [2, 1024], strides = [1, 1]} : vector<4x1024xf32> to vector<2x1024xf32>
    %slice3A_256 = vector.extract_strided_slice %select_n3A_253 {offsets = [0, 0], sizes = [2, 1024], strides = [1, 1]} : vector<4x1024xf32> to vector<2x1024xf32>
    %slice3A_257 = vector.extract_strided_slice %select_n3A_253 {offsets = [2, 0], sizes = [2, 1024], strides = [1, 1]} : vector<4x1024xf32> to vector<2x1024xf32>
    %lt3A_258 = arith.cmpf olt, %slice3A_254, %slice3A_255 : vector<2x1024xf32>
    %eq3A_259 = arith.cmpf oeq, %slice3A_254, %slice3A_255 : vector<2x1024xf32>
    %lt3A_260 = arith.cmpf olt, %slice3A_256, %slice3A_257 : vector<2x1024xf32>
    %and3A_261 = arith.andi %eq3A_259, %lt3A_260 : vector<2x1024xi1>
    %or3A_262 = arith.ori %lt3A_258, %and3A_261 : vector<2x1024xi1>
    %select_n3A_263 = arith.select %or3A_262, %slice3A_254, %slice3A_255 : vector<2x1024xi1>, vector<2x1024xf32>
    %select_n3A_264 = arith.select %or3A_262, %slice3A_256, %slice3A_257 : vector<2x1024xi1>, vector<2x1024xf32>
    %slice3A_265 = vector.extract_strided_slice %select_n3A_263 {offsets = [0, 0], sizes = [1, 1024], strides = [1, 1]} : vector<2x1024xf32> to vector<1x1024xf32>
    %slice3A_266 = vector.extract_strided_slice %select_n3A_263 {offsets = [1, 0], sizes = [1, 1024], strides = [1, 1]} : vector<2x1024xf32> to vector<1x1024xf32>
    %slice3A_267 = vector.extract_strided_slice %select_n3A_264 {offsets = [0, 0], sizes = [1, 1024], strides = [1, 1]} : vector<2x1024xf32> to vector<1x1024xf32>
    %slice3A_268 = vector.extract_strided_slice %select_n3A_264 {offsets = [1, 0], sizes = [1, 1024], strides = [1, 1]} : vector<2x1024xf32> to vector<1x1024xf32>
    %lt3A_269 = arith.cmpf olt, %slice3A_265, %slice3A_266 : vector<1x1024xf32>
    %eq3A_270 = arith.cmpf oeq, %slice3A_265, %slice3A_266 : vector<1x1024xf32>
    %lt3A_271 = arith.cmpf olt, %slice3A_267, %slice3A_268 : vector<1x1024xf32>
    %and3A_272 = arith.andi %eq3A_270, %lt3A_271 : vector<1x1024xi1>
    %or3A_273 = arith.ori %lt3A_269, %and3A_272 : vector<1x1024xi1>
    %select_n3A_274 = arith.select %or3A_273, %slice3A_265, %slice3A_266 : vector<1x1024xi1>, vector<1x1024xf32>
    %select_n3A_275 = arith.select %or3A_273, %slice3A_267, %slice3A_268 : vector<1x1024xi1>, vector<1x1024xf32>
    %convert_element_type3A_276 = arith.fptosi %select_n3A_275 : vector<1x1024xf32> to vector<1x1024xi32>
    %add3A_277 = arith.constant 3072 : i32
    %add3A_278 = vector.broadcast %add3A_277 : i32 to vector<1x1024xi32>
    %add3A_279 = arith.addi %convert_element_type3A_276, %add3A_278 : vector<1x1024xi32>
    %lt3A_280 = arith.cmpf olt, %select_n3A_274, %select_n3A_214 : vector<1x1024xf32>
    %select_n3A_281 = arith.select %lt3A_280, %select_n3A_274, %select_n3A_214 : vector<1x1024xi1>, vector<1x1024xf32>
    %select_n3A_282 = arith.select %lt3A_280, %add3A_279, %select_n3A_215 : vector<1x1024xi1>, vector<1x1024xi32>
    %broadcast_in_dim3A_283 = arith.constant 0x7F800000 : f32
    %broadcast_in_dim3A_284 = vector.broadcast %broadcast_in_dim3A_283 : f32 to vector<1x1024xf32>
    %broadcast_in_dim3A_285 = arith.constant 0 : i32
    %broadcast_in_dim3A_286 = vector.broadcast %broadcast_in_dim3A_285 : i32 to vector<1x1024xi32>
    %get3A_287 = arith.constant 4096 : index
    %get3A_288 = arith.constant 0 : index
    %get3A_289 = vector.load %arg4[%get3A_287, %get3A_288] : memref<8192x32xf32, #tpu.memory_space<vmem>>, vector<1024x32xf32>
    %mul3A_290 = arith.mulf %get3A_289, %get3A_289 : vector<1024x32xf32>
    %reduce_sum3A_291 = arith.constant dense<0.000000e+00> : vector<1024xf32>
    %reduce_sum3A_292 = vector.multi_reduction <add>, %mul3A_290, %reduce_sum3A_291 [1] : vector<1024x32xf32> to vector<1024xf32>
    %broadcast_in_dim3A_293 = vector.shape_cast %reduce_sum3A_292 : vector<1024xf32> to vector<1024x1xf32>
    %add3A_294 = vector.broadcast %broadcast_in_dim3A : vector<1x1024xf32> to vector<1024x1024xf32>
    %add3A_295 = vector.broadcast %broadcast_in_dim3A_293 : vector<1024x1xf32> to vector<1024x1024xf32>
    %add3A_296 = arith.addf %add3A_294, %add3A_295 : vector<1024x1024xf32>
    %add3A_297 = arith.addf %get3A_289, %get3A_289 : vector<1024x32xf32>
    %dot_general3A_298 = arith.constant dense<0.000000e+00> : vector<1024x1024xf32>
    %dot_general3A_299 = tpu.matmul %add3A_297, %convert_element_type3A, %dot_general3A_298 {dimension_numbers = #tpu.dot_dimension_numbers<[1], [0], [0], [1], [0, 0, 1, 1], [], []>, transpose_lhs_hint = false} : vector<1024x32xf32>, vector<32x1024xbf16>, vector<1024x1024xf32> -> vector<1024x1024xf32>
    %sub3A_300 = arith.subf %add3A_296, %dot_general3A_299 : vector<1024x1024xf32>
    %swap3A_301 = arith.constant 0 : index
    %swap3A_302 = arith.constant 0 : index
    %swap3A_303 = vector.load %arg7[%swap3A_301, %swap3A_302] : memref<1024x1024xf32, #tpu.memory_space<vmem>>, vector<1024x1024xf32>
    tpu.vector_store %arg7[%swap3A_301, %swap3A_302], %sub3A_300 {strides = array<i32>} : memref<1024x1024xf32, #tpu.memory_space<vmem>>, vector<1024x1024xf32>,
    %broadcast_in_dim3A_304 = arith.constant 0x7F800000 : f32
    %broadcast_in_dim3A_305 = vector.broadcast %broadcast_in_dim3A_304 : f32 to vector<8x1024xf32>
    %broadcast_in_dim3A_306 = arith.constant 0.000000e+00 : f32
    %broadcast_in_dim3A_307 = vector.broadcast %broadcast_in_dim3A_306 : f32 to vector<8x1024xf32>
    %scan3A_308 = arith.constant 0 : i32
    %scan3A_309 = arith.constant 128 : i32
    %scan3A_310 = arith.addi %scan3A_308, %scan3A_309 : i32
    %scan3A_311 = arith.constant 8 : i32
    %scan3A_312:2 = scf.for %scan3A_569 = %scan3A_308 to %scan3A_310 step %scan3A_311 iter_args(%scan3A_570 = %broadcast_in_dim3A_305, %scan3A_571 = %broadcast_in_dim3A_307) -> (vector<8x1024xf32>, vector<8x1024xf32>)  : i32 {
      %mul3A_572 = arith.constant 8 : i32
      %mul3A_573 = arith.muli %scan3A_569, %mul3A_572 : i32
      %multiple_of3A = tpu.assume_multiple %mul3A_573, 8 : i32
      %get3A_574 = arith.index_cast %multiple_of3A : i32 to index
      %get3A_575 = arith.constant 0 : index
      %get3A_576 = vector.load %arg7[%get3A_574, %get3A_575] : memref<1024x1024xf32, #tpu.memory_space<vmem>>, vector<8x1024xf32>
      %mul3A_577 = arith.constant 8 : i32
      %mul3A_578 = arith.muli %scan3A_569, %mul3A_577 : i32
      %convert_element_type3A_579 = arith.sitofp %mul3A_578 : i32 to f32
      %add3A_580 = vector.broadcast %convert_element_type3A_579 : f32 to vector<8x1024xf32>
      %add3A_581 = arith.addf %convert_element_type3A_18, %add3A_580 : vector<8x1024xf32>
      %lt3A_582 = arith.cmpf olt, %get3A_576, %scan3A_570 : vector<8x1024xf32>
      %select_n3A_583 = arith.select %lt3A_582, %get3A_576, %scan3A_570 : vector<8x1024xi1>, vector<8x1024xf32>
      %select_n3A_584 = arith.select %lt3A_582, %add3A_581, %scan3A_571 : vector<8x1024xi1>, vector<8x1024xf32>
      %scan3A_585 = arith.constant 1 : i32
      %scan3A_586 = arith.addi %scan3A_569, %scan3A_585 : i32
      %mul3A_587 = arith.constant 8 : i32
      %mul3A_588 = arith.muli %scan3A_586, %mul3A_587 : i32
      %multiple_of3A_589 = tpu.assume_multiple %mul3A_588, 8 : i32
      %get3A_590 = arith.index_cast %multiple_of3A_589 : i32 to index
      %get3A_591 = arith.constant 0 : index
      %get3A_592 = vector.load %arg7[%get3A_590, %get3A_591] : memref<1024x1024xf32, #tpu.memory_space<vmem>>, vector<8x1024xf32>
      %mul3A_593 = arith.constant 8 : i32
      %mul3A_594 = arith.muli %scan3A_586, %mul3A_593 : i32
      %convert_element_type3A_595 = arith.sitofp %mul3A_594 : i32 to f32
      %add3A_596 = vector.broadcast %convert_element_type3A_595 : f32 to vector<8x1024xf32>
      %add3A_597 = arith.addf %convert_element_type3A_18, %add3A_596 : vector<8x1024xf32>
      %lt3A_598 = arith.cmpf olt, %get3A_592, %select_n3A_583 : vector<8x1024xf32>
      %select_n3A_599 = arith.select %lt3A_598, %get3A_592, %select_n3A_583 : vector<8x1024xi1>, vector<8x1024xf32>
      %select_n3A_600 = arith.select %lt3A_598, %add3A_597, %select_n3A_584 : vector<8x1024xi1>, vector<8x1024xf32>
      %scan3A_601 = arith.constant 2 : i32
      %scan3A_602 = arith.addi %scan3A_569, %scan3A_601 : i32
      %mul3A_603 = arith.constant 8 : i32
      %mul3A_604 = arith.muli %scan3A_602, %mul3A_603 : i32
      %multiple_of3A_605 = tpu.assume_multiple %mul3A_604, 8 : i32
      %get3A_606 = arith.index_cast %multiple_of3A_605 : i32 to index
      %get3A_607 = arith.constant 0 : index
      %get3A_608 = vector.load %arg7[%get3A_606, %get3A_607] : memref<1024x1024xf32, #tpu.memory_space<vmem>>, vector<8x1024xf32>
      %mul3A_609 = arith.constant 8 : i32
      %mul3A_610 = arith.muli %scan3A_602, %mul3A_609 : i32
      %convert_element_type3A_611 = arith.sitofp %mul3A_610 : i32 to f32
      %add3A_612 = vector.broadcast %convert_element_type3A_611 : f32 to vector<8x1024xf32>
      %add3A_613 = arith.addf %convert_element_type3A_18, %add3A_612 : vector<8x1024xf32>
      %lt3A_614 = arith.cmpf olt, %get3A_608, %select_n3A_599 : vector<8x1024xf32>
      %select_n3A_615 = arith.select %lt3A_614, %get3A_608, %select_n3A_599 : vector<8x1024xi1>, vector<8x1024xf32>
      %select_n3A_616 = arith.select %lt3A_614, %add3A_613, %select_n3A_600 : vector<8x1024xi1>, vector<8x1024xf32>
      %scan3A_617 = arith.constant 3 : i32
      %scan3A_618 = arith.addi %scan3A_569, %scan3A_617 : i32
      %mul3A_619 = arith.constant 8 : i32
      %mul3A_620 = arith.muli %scan3A_618, %mul3A_619 : i32
      %multiple_of3A_621 = tpu.assume_multiple %mul3A_620, 8 : i32
      %get3A_622 = arith.index_cast %multiple_of3A_621 : i32 to index
      %get3A_623 = arith.constant 0 : index
      %get3A_624 = vector.load %arg7[%get3A_622, %get3A_623] : memref<1024x1024xf32, #tpu.memory_space<vmem>>, vector<8x1024xf32>
      %mul3A_625 = arith.constant 8 : i32
      %mul3A_626 = arith.muli %scan3A_618, %mul3A_625 : i32
      %convert_element_type3A_627 = arith.sitofp %mul3A_626 : i32 to f32
      %add3A_628 = vector.broadcast %convert_element_type3A_627 : f32 to vector<8x1024xf32>
      %add3A_629 = arith.addf %convert_element_type3A_18, %add3A_628 : vector<8x1024xf32>
      %lt3A_630 = arith.cmpf olt, %get3A_624, %select_n3A_615 : vector<8x1024xf32>
      %select_n3A_631 = arith.select %lt3A_630, %get3A_624, %select_n3A_615 : vector<8x1024xi1>, vector<8x1024xf32>
      %select_n3A_632 = arith.select %lt3A_630, %add3A_629, %select_n3A_616 : vector<8x1024xi1>, vector<8x1024xf32>
      %scan3A_633 = arith.constant 4 : i32
      %scan3A_634 = arith.addi %scan3A_569, %scan3A_633 : i32
      %mul3A_635 = arith.constant 8 : i32
      %mul3A_636 = arith.muli %scan3A_634, %mul3A_635 : i32
      %multiple_of3A_637 = tpu.assume_multiple %mul3A_636, 8 : i32
      %get3A_638 = arith.index_cast %multiple_of3A_637 : i32 to index
      %get3A_639 = arith.constant 0 : index
      %get3A_640 = vector.load %arg7[%get3A_638, %get3A_639] : memref<1024x1024xf32, #tpu.memory_space<vmem>>, vector<8x1024xf32>
      %mul3A_641 = arith.constant 8 : i32
      %mul3A_642 = arith.muli %scan3A_634, %mul3A_641 : i32
      %convert_element_type3A_643 = arith.sitofp %mul3A_642 : i32 to f32
      %add3A_644 = vector.broadcast %convert_element_type3A_643 : f32 to vector<8x1024xf32>
      %add3A_645 = arith.addf %convert_element_type3A_18, %add3A_644 : vector<8x1024xf32>
      %lt3A_646 = arith.cmpf olt, %get3A_640, %select_n3A_631 : vector<8x1024xf32>
      %select_n3A_647 = arith.select %lt3A_646, %get3A_640, %select_n3A_631 : vector<8x1024xi1>, vector<8x1024xf32>
      %select_n3A_648 = arith.select %lt3A_646, %add3A_645, %select_n3A_632 : vector<8x1024xi1>, vector<8x1024xf32>
      %scan3A_649 = arith.constant 5 : i32
      %scan3A_650 = arith.addi %scan3A_569, %scan3A_649 : i32
      %mul3A_651 = arith.constant 8 : i32
      %mul3A_652 = arith.muli %scan3A_650, %mul3A_651 : i32
      %multiple_of3A_653 = tpu.assume_multiple %mul3A_652, 8 : i32
      %get3A_654 = arith.index_cast %multiple_of3A_653 : i32 to index
      %get3A_655 = arith.constant 0 : index
      %get3A_656 = vector.load %arg7[%get3A_654, %get3A_655] : memref<1024x1024xf32, #tpu.memory_space<vmem>>, vector<8x1024xf32>
      %mul3A_657 = arith.constant 8 : i32
      %mul3A_658 = arith.muli %scan3A_650, %mul3A_657 : i32
      %convert_element_type3A_659 = arith.sitofp %mul3A_658 : i32 to f32
      %add3A_660 = vector.broadcast %convert_element_type3A_659 : f32 to vector<8x1024xf32>
      %add3A_661 = arith.addf %convert_element_type3A_18, %add3A_660 : vector<8x1024xf32>
      %lt3A_662 = arith.cmpf olt, %get3A_656, %select_n3A_647 : vector<8x1024xf32>
      %select_n3A_663 = arith.select %lt3A_662, %get3A_656, %select_n3A_647 : vector<8x1024xi1>, vector<8x1024xf32>
      %select_n3A_664 = arith.select %lt3A_662, %add3A_661, %select_n3A_648 : vector<8x1024xi1>, vector<8x1024xf32>
      %scan3A_665 = arith.constant 6 : i32
      %scan3A_666 = arith.addi %scan3A_569, %scan3A_665 : i32
      %mul3A_667 = arith.constant 8 : i32
      %mul3A_668 = arith.muli %scan3A_666, %mul3A_667 : i32
      %multiple_of3A_669 = tpu.assume_multiple %mul3A_668, 8 : i32
      %get3A_670 = arith.index_cast %multiple_of3A_669 : i32 to index
      %get3A_671 = arith.constant 0 : index
      %get3A_672 = vector.load %arg7[%get3A_670, %get3A_671] : memref<1024x1024xf32, #tpu.memory_space<vmem>>, vector<8x1024xf32>
      %mul3A_673 = arith.constant 8 : i32
      %mul3A_674 = arith.muli %scan3A_666, %mul3A_673 : i32
      %convert_element_type3A_675 = arith.sitofp %mul3A_674 : i32 to f32
      %add3A_676 = vector.broadcast %convert_element_type3A_675 : f32 to vector<8x1024xf32>
      %add3A_677 = arith.addf %convert_element_type3A_18, %add3A_676 : vector<8x1024xf32>
      %lt3A_678 = arith.cmpf olt, %get3A_672, %select_n3A_663 : vector<8x1024xf32>
      %select_n3A_679 = arith.select %lt3A_678, %get3A_672, %select_n3A_663 : vector<8x1024xi1>, vector<8x1024xf32>
      %select_n3A_680 = arith.select %lt3A_678, %add3A_677, %select_n3A_664 : vector<8x1024xi1>, vector<8x1024xf32>
      %scan3A_681 = arith.constant 7 : i32
      %scan3A_682 = arith.addi %scan3A_569, %scan3A_681 : i32
      %mul3A_683 = arith.constant 8 : i32
      %mul3A_684 = arith.muli %scan3A_682, %mul3A_683 : i32
      %multiple_of3A_685 = tpu.assume_multiple %mul3A_684, 8 : i32
      %get3A_686 = arith.index_cast %multiple_of3A_685 : i32 to index
      %get3A_687 = arith.constant 0 : index
      %get3A_688 = vector.load %arg7[%get3A_686, %get3A_687] : memref<1024x1024xf32, #tpu.memory_space<vmem>>, vector<8x1024xf32>
      %mul3A_689 = arith.constant 8 : i32
      %mul3A_690 = arith.muli %scan3A_682, %mul3A_689 : i32
      %convert_element_type3A_691 = arith.sitofp %mul3A_690 : i32 to f32
      %add3A_692 = vector.broadcast %convert_element_type3A_691 : f32 to vector<8x1024xf32>
      %add3A_693 = arith.addf %convert_element_type3A_18, %add3A_692 : vector<8x1024xf32>
      %lt3A_694 = arith.cmpf olt, %get3A_688, %select_n3A_679 : vector<8x1024xf32>
      %select_n3A_695 = arith.select %lt3A_694, %get3A_688, %select_n3A_679 : vector<8x1024xi1>, vector<8x1024xf32>
      %select_n3A_696 = arith.select %lt3A_694, %add3A_693, %select_n3A_680 : vector<8x1024xi1>, vector<8x1024xf32>
      scf.yield %select_n3A_695, %select_n3A_696 : vector<8x1024xf32>, vector<8x1024xf32>
    }
    %scan3A_313 = arith.constant 128 : i32
    %slice3A_314 = vector.extract_strided_slice %scan3A_312#0 {offsets = [0, 0], sizes = [4, 1024], strides = [1, 1]} : vector<8x1024xf32> to vector<4x1024xf32>
    %slice3A_315 = vector.extract_strided_slice %scan3A_312#0 {offsets = [4, 0], sizes = [4, 1024], strides = [1, 1]} : vector<8x1024xf32> to vector<4x1024xf32>
    %slice3A_316 = vector.extract_strided_slice %scan3A_312#1 {offsets = [0, 0], sizes = [4, 1024], strides = [1, 1]} : vector<8x1024xf32> to vector<4x1024xf32>
    %slice3A_317 = vector.extract_strided_slice %scan3A_312#1 {offsets = [4, 0], sizes = [4, 1024], strides = [1, 1]} : vector<8x1024xf32> to vector<4x1024xf32>
    %lt3A_318 = arith.cmpf olt, %slice3A_314, %slice3A_315 : vector<4x1024xf32>
    %eq3A_319 = arith.cmpf oeq, %slice3A_314, %slice3A_315 : vector<4x1024xf32>
    %lt3A_320 = arith.cmpf olt, %slice3A_316, %slice3A_317 : vector<4x1024xf32>
    %and3A_321 = arith.andi %eq3A_319, %lt3A_320 : vector<4x1024xi1>
    %or3A_322 = arith.ori %lt3A_318, %and3A_321 : vector<4x1024xi1>
    %select_n3A_323 = arith.select %or3A_322, %slice3A_314, %slice3A_315 : vector<4x1024xi1>, vector<4x1024xf32>
    %select_n3A_324 = arith.select %or3A_322, %slice3A_316, %slice3A_317 : vector<4x1024xi1>, vector<4x1024xf32>
    %slice3A_325 = vector.extract_strided_slice %select_n3A_323 {offsets = [0, 0], sizes = [2, 1024], strides = [1, 1]} : vector<4x1024xf32> to vector<2x1024xf32>
    %slice3A_326 = vector.extract_strided_slice %select_n3A_323 {offsets = [2, 0], sizes = [2, 1024], strides = [1, 1]} : vector<4x1024xf32> to vector<2x1024xf32>
    %slice3A_327 = vector.extract_strided_slice %select_n3A_324 {offsets = [0, 0], sizes = [2, 1024], strides = [1, 1]} : vector<4x1024xf32> to vector<2x1024xf32>
    %slice3A_328 = vector.extract_strided_slice %select_n3A_324 {offsets = [2, 0], sizes = [2, 1024], strides = [1, 1]} : vector<4x1024xf32> to vector<2x1024xf32>
    %lt3A_329 = arith.cmpf olt, %slice3A_325, %slice3A_326 : vector<2x1024xf32>
    %eq3A_330 = arith.cmpf oeq, %slice3A_325, %slice3A_326 : vector<2x1024xf32>
    %lt3A_331 = arith.cmpf olt, %slice3A_327, %slice3A_328 : vector<2x1024xf32>
    %and3A_332 = arith.andi %eq3A_330, %lt3A_331 : vector<2x1024xi1>
    %or3A_333 = arith.ori %lt3A_329, %and3A_332 : vector<2x1024xi1>
    %select_n3A_334 = arith.select %or3A_333, %slice3A_325, %slice3A_326 : vector<2x1024xi1>, vector<2x1024xf32>
    %select_n3A_335 = arith.select %or3A_333, %slice3A_327, %slice3A_328 : vector<2x1024xi1>, vector<2x1024xf32>
    %slice3A_336 = vector.extract_strided_slice %select_n3A_334 {offsets = [0, 0], sizes = [1, 1024], strides = [1, 1]} : vector<2x1024xf32> to vector<1x1024xf32>
    %slice3A_337 = vector.extract_strided_slice %select_n3A_334 {offsets = [1, 0], sizes = [1, 1024], strides = [1, 1]} : vector<2x1024xf32> to vector<1x1024xf32>
    %slice3A_338 = vector.extract_strided_slice %select_n3A_335 {offsets = [0, 0], sizes = [1, 1024], strides = [1, 1]} : vector<2x1024xf32> to vector<1x1024xf32>
    %slice3A_339 = vector.extract_strided_slice %select_n3A_335 {offsets = [1, 0], sizes = [1, 1024], strides = [1, 1]} : vector<2x1024xf32> to vector<1x1024xf32>
    %lt3A_340 = arith.cmpf olt, %slice3A_336, %slice3A_337 : vector<1x1024xf32>
    %eq3A_341 = arith.cmpf oeq, %slice3A_336, %slice3A_337 : vector<1x1024xf32>
    %lt3A_342 = arith.cmpf olt, %slice3A_338, %slice3A_339 : vector<1x1024xf32>
    %and3A_343 = arith.andi %eq3A_341, %lt3A_342 : vector<1x1024xi1>
    %or3A_344 = arith.ori %lt3A_340, %and3A_343 : vector<1x1024xi1>
    %select_n3A_345 = arith.select %or3A_344, %slice3A_336, %slice3A_337 : vector<1x1024xi1>, vector<1x1024xf32>
    %select_n3A_346 = arith.select %or3A_344, %slice3A_338, %slice3A_339 : vector<1x1024xi1>, vector<1x1024xf32>
    %convert_element_type3A_347 = arith.fptosi %select_n3A_346 : vector<1x1024xf32> to vector<1x1024xi32>
    %add3A_348 = arith.constant 4096 : i32
    %add3A_349 = vector.broadcast %add3A_348 : i32 to vector<1x1024xi32>
    %add3A_350 = arith.addi %convert_element_type3A_347, %add3A_349 : vector<1x1024xi32>
    %lt3A_351 = arith.cmpf olt, %select_n3A_345, %broadcast_in_dim3A_284 : vector<1x1024xf32>
    %select_n3A_352 = arith.select %lt3A_351, %select_n3A_345, %broadcast_in_dim3A_284 : vector<1x1024xi1>, vector<1x1024xf32>
    %select_n3A_353 = arith.select %lt3A_351, %add3A_350, %broadcast_in_dim3A_286 : vector<1x1024xi1>, vector<1x1024xi32>
    %get3A_354 = arith.constant 5120 : index
    %get3A_355 = arith.constant 0 : index
    %get3A_356 = vector.load %arg4[%get3A_354, %get3A_355] : memref<8192x32xf32, #tpu.memory_space<vmem>>, vector<1024x32xf32>
    %mul3A_357 = arith.mulf %get3A_356, %get3A_356 : vector<1024x32xf32>
    %reduce_sum3A_358 = arith.constant dense<0.000000e+00> : vector<1024xf32>
    %reduce_sum3A_359 = vector.multi_reduction <add>, %mul3A_357, %reduce_sum3A_358 [1] : vector<1024x32xf32> to vector<1024xf32>
    %broadcast_in_dim3A_360 = vector.shape_cast %reduce_sum3A_359 : vector<1024xf32> to vector<1024x1xf32>
    %add3A_361 = vector.broadcast %broadcast_in_dim3A : vector<1x1024xf32> to vector<1024x1024xf32>
    %add3A_362 = vector.broadcast %broadcast_in_dim3A_360 : vector<1024x1xf32> to vector<1024x1024xf32>
    %add3A_363 = arith.addf %add3A_361, %add3A_362 : vector<1024x1024xf32>
    %add3A_364 = arith.addf %get3A_356, %get3A_356 : vector<1024x32xf32>
    %dot_general3A_365 = arith.constant dense<0.000000e+00> : vector<1024x1024xf32>
    %dot_general3A_366 = tpu.matmul %add3A_364, %convert_element_type3A, %dot_general3A_365 {dimension_numbers = #tpu.dot_dimension_numbers<[1], [0], [0], [1], [0, 0, 1, 1], [], []>, transpose_lhs_hint = false} : vector<1024x32xf32>, vector<32x1024xbf16>, vector<1024x1024xf32> -> vector<1024x1024xf32>
    %sub3A_367 = arith.subf %add3A_363, %dot_general3A_366 : vector<1024x1024xf32>
    %swap3A_368 = arith.constant 0 : index
    %swap3A_369 = arith.constant 0 : index
    %swap3A_370 = vector.load %arg7[%swap3A_368, %swap3A_369] : memref<1024x1024xf32, #tpu.memory_space<vmem>>, vector<1024x1024xf32>
    tpu.vector_store %arg7[%swap3A_368, %swap3A_369], %sub3A_367 {strides = array<i32>} : memref<1024x1024xf32, #tpu.memory_space<vmem>>, vector<1024x1024xf32>,
    %broadcast_in_dim3A_371 = arith.constant 0x7F800000 : f32
    %broadcast_in_dim3A_372 = vector.broadcast %broadcast_in_dim3A_371 : f32 to vector<8x1024xf32>
    %broadcast_in_dim3A_373 = arith.constant 0.000000e+00 : f32
    %broadcast_in_dim3A_374 = vector.broadcast %broadcast_in_dim3A_373 : f32 to vector<8x1024xf32>
    %scan3A_375 = arith.constant 0 : i32
    %scan3A_376 = arith.constant 128 : i32
    %scan3A_377 = arith.addi %scan3A_375, %scan3A_376 : i32
    %scan3A_378 = arith.constant 8 : i32
    %scan3A_379:2 = scf.for %scan3A_569 = %scan3A_375 to %scan3A_377 step %scan3A_378 iter_args(%scan3A_570 = %broadcast_in_dim3A_372, %scan3A_571 = %broadcast_in_dim3A_374) -> (vector<8x1024xf32>, vector<8x1024xf32>)  : i32 {
      %mul3A_572 = arith.constant 8 : i32
      %mul3A_573 = arith.muli %scan3A_569, %mul3A_572 : i32
      %multiple_of3A = tpu.assume_multiple %mul3A_573, 8 : i32
      %get3A_574 = arith.index_cast %multiple_of3A : i32 to index
      %get3A_575 = arith.constant 0 : index
      %get3A_576 = vector.load %arg7[%get3A_574, %get3A_575] : memref<1024x1024xf32, #tpu.memory_space<vmem>>, vector<8x1024xf32>
      %mul3A_577 = arith.constant 8 : i32
      %mul3A_578 = arith.muli %scan3A_569, %mul3A_577 : i32
      %convert_element_type3A_579 = arith.sitofp %mul3A_578 : i32 to f32
      %add3A_580 = vector.broadcast %convert_element_type3A_579 : f32 to vector<8x1024xf32>
      %add3A_581 = arith.addf %convert_element_type3A_18, %add3A_580 : vector<8x1024xf32>
      %lt3A_582 = arith.cmpf olt, %get3A_576, %scan3A_570 : vector<8x1024xf32>
      %select_n3A_583 = arith.select %lt3A_582, %get3A_576, %scan3A_570 : vector<8x1024xi1>, vector<8x1024xf32>
      %select_n3A_584 = arith.select %lt3A_582, %add3A_581, %scan3A_571 : vector<8x1024xi1>, vector<8x1024xf32>
      %scan3A_585 = arith.constant 1 : i32
      %scan3A_586 = arith.addi %scan3A_569, %scan3A_585 : i32
      %mul3A_587 = arith.constant 8 : i32
      %mul3A_588 = arith.muli %scan3A_586, %mul3A_587 : i32
      %multiple_of3A_589 = tpu.assume_multiple %mul3A_588, 8 : i32
      %get3A_590 = arith.index_cast %multiple_of3A_589 : i32 to index
      %get3A_591 = arith.constant 0 : index
      %get3A_592 = vector.load %arg7[%get3A_590, %get3A_591] : memref<1024x1024xf32, #tpu.memory_space<vmem>>, vector<8x1024xf32>
      %mul3A_593 = arith.constant 8 : i32
      %mul3A_594 = arith.muli %scan3A_586, %mul3A_593 : i32
      %convert_element_type3A_595 = arith.sitofp %mul3A_594 : i32 to f32
      %add3A_596 = vector.broadcast %convert_element_type3A_595 : f32 to vector<8x1024xf32>
      %add3A_597 = arith.addf %convert_element_type3A_18, %add3A_596 : vector<8x1024xf32>
      %lt3A_598 = arith.cmpf olt, %get3A_592, %select_n3A_583 : vector<8x1024xf32>
      %select_n3A_599 = arith.select %lt3A_598, %get3A_592, %select_n3A_583 : vector<8x1024xi1>, vector<8x1024xf32>
      %select_n3A_600 = arith.select %lt3A_598, %add3A_597, %select_n3A_584 : vector<8x1024xi1>, vector<8x1024xf32>
      %scan3A_601 = arith.constant 2 : i32
      %scan3A_602 = arith.addi %scan3A_569, %scan3A_601 : i32
      %mul3A_603 = arith.constant 8 : i32
      %mul3A_604 = arith.muli %scan3A_602, %mul3A_603 : i32
      %multiple_of3A_605 = tpu.assume_multiple %mul3A_604, 8 : i32
      %get3A_606 = arith.index_cast %multiple_of3A_605 : i32 to index
      %get3A_607 = arith.constant 0 : index
      %get3A_608 = vector.load %arg7[%get3A_606, %get3A_607] : memref<1024x1024xf32, #tpu.memory_space<vmem>>, vector<8x1024xf32>
      %mul3A_609 = arith.constant 8 : i32
      %mul3A_610 = arith.muli %scan3A_602, %mul3A_609 : i32
      %convert_element_type3A_611 = arith.sitofp %mul3A_610 : i32 to f32
      %add3A_612 = vector.broadcast %convert_element_type3A_611 : f32 to vector<8x1024xf32>
      %add3A_613 = arith.addf %convert_element_type3A_18, %add3A_612 : vector<8x1024xf32>
      %lt3A_614 = arith.cmpf olt, %get3A_608, %select_n3A_599 : vector<8x1024xf32>
      %select_n3A_615 = arith.select %lt3A_614, %get3A_608, %select_n3A_599 : vector<8x1024xi1>, vector<8x1024xf32>
      %select_n3A_616 = arith.select %lt3A_614, %add3A_613, %select_n3A_600 : vector<8x1024xi1>, vector<8x1024xf32>
      %scan3A_617 = arith.constant 3 : i32
      %scan3A_618 = arith.addi %scan3A_569, %scan3A_617 : i32
      %mul3A_619 = arith.constant 8 : i32
      %mul3A_620 = arith.muli %scan3A_618, %mul3A_619 : i32
      %multiple_of3A_621 = tpu.assume_multiple %mul3A_620, 8 : i32
      %get3A_622 = arith.index_cast %multiple_of3A_621 : i32 to index
      %get3A_623 = arith.constant 0 : index
      %get3A_624 = vector.load %arg7[%get3A_622, %get3A_623] : memref<1024x1024xf32, #tpu.memory_space<vmem>>, vector<8x1024xf32>
      %mul3A_625 = arith.constant 8 : i32
      %mul3A_626 = arith.muli %scan3A_618, %mul3A_625 : i32
      %convert_element_type3A_627 = arith.sitofp %mul3A_626 : i32 to f32
      %add3A_628 = vector.broadcast %convert_element_type3A_627 : f32 to vector<8x1024xf32>
      %add3A_629 = arith.addf %convert_element_type3A_18, %add3A_628 : vector<8x1024xf32>
      %lt3A_630 = arith.cmpf olt, %get3A_624, %select_n3A_615 : vector<8x1024xf32>
      %select_n3A_631 = arith.select %lt3A_630, %get3A_624, %select_n3A_615 : vector<8x1024xi1>, vector<8x1024xf32>
      %select_n3A_632 = arith.select %lt3A_630, %add3A_629, %select_n3A_616 : vector<8x1024xi1>, vector<8x1024xf32>
      %scan3A_633 = arith.constant 4 : i32
      %scan3A_634 = arith.addi %scan3A_569, %scan3A_633 : i32
      %mul3A_635 = arith.constant 8 : i32
      %mul3A_636 = arith.muli %scan3A_634, %mul3A_635 : i32
      %multiple_of3A_637 = tpu.assume_multiple %mul3A_636, 8 : i32
      %get3A_638 = arith.index_cast %multiple_of3A_637 : i32 to index
      %get3A_639 = arith.constant 0 : index
      %get3A_640 = vector.load %arg7[%get3A_638, %get3A_639] : memref<1024x1024xf32, #tpu.memory_space<vmem>>, vector<8x1024xf32>
      %mul3A_641 = arith.constant 8 : i32
      %mul3A_642 = arith.muli %scan3A_634, %mul3A_641 : i32
      %convert_element_type3A_643 = arith.sitofp %mul3A_642 : i32 to f32
      %add3A_644 = vector.broadcast %convert_element_type3A_643 : f32 to vector<8x1024xf32>
      %add3A_645 = arith.addf %convert_element_type3A_18, %add3A_644 : vector<8x1024xf32>
      %lt3A_646 = arith.cmpf olt, %get3A_640, %select_n3A_631 : vector<8x1024xf32>
      %select_n3A_647 = arith.select %lt3A_646, %get3A_640, %select_n3A_631 : vector<8x1024xi1>, vector<8x1024xf32>
      %select_n3A_648 = arith.select %lt3A_646, %add3A_645, %select_n3A_632 : vector<8x1024xi1>, vector<8x1024xf32>
      %scan3A_649 = arith.constant 5 : i32
      %scan3A_650 = arith.addi %scan3A_569, %scan3A_649 : i32
      %mul3A_651 = arith.constant 8 : i32
      %mul3A_652 = arith.muli %scan3A_650, %mul3A_651 : i32
      %multiple_of3A_653 = tpu.assume_multiple %mul3A_652, 8 : i32
      %get3A_654 = arith.index_cast %multiple_of3A_653 : i32 to index
      %get3A_655 = arith.constant 0 : index
      %get3A_656 = vector.load %arg7[%get3A_654, %get3A_655] : memref<1024x1024xf32, #tpu.memory_space<vmem>>, vector<8x1024xf32>
      %mul3A_657 = arith.constant 8 : i32
      %mul3A_658 = arith.muli %scan3A_650, %mul3A_657 : i32
      %convert_element_type3A_659 = arith.sitofp %mul3A_658 : i32 to f32
      %add3A_660 = vector.broadcast %convert_element_type3A_659 : f32 to vector<8x1024xf32>
      %add3A_661 = arith.addf %convert_element_type3A_18, %add3A_660 : vector<8x1024xf32>
      %lt3A_662 = arith.cmpf olt, %get3A_656, %select_n3A_647 : vector<8x1024xf32>
      %select_n3A_663 = arith.select %lt3A_662, %get3A_656, %select_n3A_647 : vector<8x1024xi1>, vector<8x1024xf32>
      %select_n3A_664 = arith.select %lt3A_662, %add3A_661, %select_n3A_648 : vector<8x1024xi1>, vector<8x1024xf32>
      %scan3A_665 = arith.constant 6 : i32
      %scan3A_666 = arith.addi %scan3A_569, %scan3A_665 : i32
      %mul3A_667 = arith.constant 8 : i32
      %mul3A_668 = arith.muli %scan3A_666, %mul3A_667 : i32
      %multiple_of3A_669 = tpu.assume_multiple %mul3A_668, 8 : i32
      %get3A_670 = arith.index_cast %multiple_of3A_669 : i32 to index
      %get3A_671 = arith.constant 0 : index
      %get3A_672 = vector.load %arg7[%get3A_670, %get3A_671] : memref<1024x1024xf32, #tpu.memory_space<vmem>>, vector<8x1024xf32>
      %mul3A_673 = arith.constant 8 : i32
      %mul3A_674 = arith.muli %scan3A_666, %mul3A_673 : i32
      %convert_element_type3A_675 = arith.sitofp %mul3A_674 : i32 to f32
      %add3A_676 = vector.broadcast %convert_element_type3A_675 : f32 to vector<8x1024xf32>
      %add3A_677 = arith.addf %convert_element_type3A_18, %add3A_676 : vector<8x1024xf32>
      %lt3A_678 = arith.cmpf olt, %get3A_672, %select_n3A_663 : vector<8x1024xf32>
      %select_n3A_679 = arith.select %lt3A_678, %get3A_672, %select_n3A_663 : vector<8x1024xi1>, vector<8x1024xf32>
      %select_n3A_680 = arith.select %lt3A_678, %add3A_677, %select_n3A_664 : vector<8x1024xi1>, vector<8x1024xf32>
      %scan3A_681 = arith.constant 7 : i32
      %scan3A_682 = arith.addi %scan3A_569, %scan3A_681 : i32
      %mul3A_683 = arith.constant 8 : i32
      %mul3A_684 = arith.muli %scan3A_682, %mul3A_683 : i32
      %multiple_of3A_685 = tpu.assume_multiple %mul3A_684, 8 : i32
      %get3A_686 = arith.index_cast %multiple_of3A_685 : i32 to index
      %get3A_687 = arith.constant 0 : index
      %get3A_688 = vector.load %arg7[%get3A_686, %get3A_687] : memref<1024x1024xf32, #tpu.memory_space<vmem>>, vector<8x1024xf32>
      %mul3A_689 = arith.constant 8 : i32
      %mul3A_690 = arith.muli %scan3A_682, %mul3A_689 : i32
      %convert_element_type3A_691 = arith.sitofp %mul3A_690 : i32 to f32
      %add3A_692 = vector.broadcast %convert_element_type3A_691 : f32 to vector<8x1024xf32>
      %add3A_693 = arith.addf %convert_element_type3A_18, %add3A_692 : vector<8x1024xf32>
      %lt3A_694 = arith.cmpf olt, %get3A_688, %select_n3A_679 : vector<8x1024xf32>
      %select_n3A_695 = arith.select %lt3A_694, %get3A_688, %select_n3A_679 : vector<8x1024xi1>, vector<8x1024xf32>
      %select_n3A_696 = arith.select %lt3A_694, %add3A_693, %select_n3A_680 : vector<8x1024xi1>, vector<8x1024xf32>
      scf.yield %select_n3A_695, %select_n3A_696 : vector<8x1024xf32>, vector<8x1024xf32>
    }
    %scan3A_380 = arith.constant 128 : i32
    %slice3A_381 = vector.extract_strided_slice %scan3A_379#0 {offsets = [0, 0], sizes = [4, 1024], strides = [1, 1]} : vector<8x1024xf32> to vector<4x1024xf32>
    %slice3A_382 = vector.extract_strided_slice %scan3A_379#0 {offsets = [4, 0], sizes = [4, 1024], strides = [1, 1]} : vector<8x1024xf32> to vector<4x1024xf32>
    %slice3A_383 = vector.extract_strided_slice %scan3A_379#1 {offsets = [0, 0], sizes = [4, 1024], strides = [1, 1]} : vector<8x1024xf32> to vector<4x1024xf32>
    %slice3A_384 = vector.extract_strided_slice %scan3A_379#1 {offsets = [4, 0], sizes = [4, 1024], strides = [1, 1]} : vector<8x1024xf32> to vector<4x1024xf32>
    %lt3A_385 = arith.cmpf olt, %slice3A_381, %slice3A_382 : vector<4x1024xf32>
    %eq3A_386 = arith.cmpf oeq, %slice3A_381, %slice3A_382 : vector<4x1024xf32>
    %lt3A_387 = arith.cmpf olt, %slice3A_383, %slice3A_384 : vector<4x1024xf32>
    %and3A_388 = arith.andi %eq3A_386, %lt3A_387 : vector<4x1024xi1>
    %or3A_389 = arith.ori %lt3A_385, %and3A_388 : vector<4x1024xi1>
    %select_n3A_390 = arith.select %or3A_389, %slice3A_381, %slice3A_382 : vector<4x1024xi1>, vector<4x1024xf32>
    %select_n3A_391 = arith.select %or3A_389, %slice3A_383, %slice3A_384 : vector<4x1024xi1>, vector<4x1024xf32>
    %slice3A_392 = vector.extract_strided_slice %select_n3A_390 {offsets = [0, 0], sizes = [2, 1024], strides = [1, 1]} : vector<4x1024xf32> to vector<2x1024xf32>
    %slice3A_393 = vector.extract_strided_slice %select_n3A_390 {offsets = [2, 0], sizes = [2, 1024], strides = [1, 1]} : vector<4x1024xf32> to vector<2x1024xf32>
    %slice3A_394 = vector.extract_strided_slice %select_n3A_391 {offsets = [0, 0], sizes = [2, 1024], strides = [1, 1]} : vector<4x1024xf32> to vector<2x1024xf32>
    %slice3A_395 = vector.extract_strided_slice %select_n3A_391 {offsets = [2, 0], sizes = [2, 1024], strides = [1, 1]} : vector<4x1024xf32> to vector<2x1024xf32>
    %lt3A_396 = arith.cmpf olt, %slice3A_392, %slice3A_393 : vector<2x1024xf32>
    %eq3A_397 = arith.cmpf oeq, %slice3A_392, %slice3A_393 : vector<2x1024xf32>
    %lt3A_398 = arith.cmpf olt, %slice3A_394, %slice3A_395 : vector<2x1024xf32>
    %and3A_399 = arith.andi %eq3A_397, %lt3A_398 : vector<2x1024xi1>
    %or3A_400 = arith.ori %lt3A_396, %and3A_399 : vector<2x1024xi1>
    %select_n3A_401 = arith.select %or3A_400, %slice3A_392, %slice3A_393 : vector<2x1024xi1>, vector<2x1024xf32>
    %select_n3A_402 = arith.select %or3A_400, %slice3A_394, %slice3A_395 : vector<2x1024xi1>, vector<2x1024xf32>
    %slice3A_403 = vector.extract_strided_slice %select_n3A_401 {offsets = [0, 0], sizes = [1, 1024], strides = [1, 1]} : vector<2x1024xf32> to vector<1x1024xf32>
    %slice3A_404 = vector.extract_strided_slice %select_n3A_401 {offsets = [1, 0], sizes = [1, 1024], strides = [1, 1]} : vector<2x1024xf32> to vector<1x1024xf32>
    %slice3A_405 = vector.extract_strided_slice %select_n3A_402 {offsets = [0, 0], sizes = [1, 1024], strides = [1, 1]} : vector<2x1024xf32> to vector<1x1024xf32>
    %slice3A_406 = vector.extract_strided_slice %select_n3A_402 {offsets = [1, 0], sizes = [1, 1024], strides = [1, 1]} : vector<2x1024xf32> to vector<1x1024xf32>
    %lt3A_407 = arith.cmpf olt, %slice3A_403, %slice3A_404 : vector<1x1024xf32>
    %eq3A_408 = arith.cmpf oeq, %slice3A_403, %slice3A_404 : vector<1x1024xf32>
    %lt3A_409 = arith.cmpf olt, %slice3A_405, %slice3A_406 : vector<1x1024xf32>
    %and3A_410 = arith.andi %eq3A_408, %lt3A_409 : vector<1x1024xi1>
    %or3A_411 = arith.ori %lt3A_407, %and3A_410 : vector<1x1024xi1>
    %select_n3A_412 = arith.select %or3A_411, %slice3A_403, %slice3A_404 : vector<1x1024xi1>, vector<1x1024xf32>
    %select_n3A_413 = arith.select %or3A_411, %slice3A_405, %slice3A_406 : vector<1x1024xi1>, vector<1x1024xf32>
    %convert_element_type3A_414 = arith.fptosi %select_n3A_413 : vector<1x1024xf32> to vector<1x1024xi32>
    %add3A_415 = arith.constant 5120 : i32
    %add3A_416 = vector.broadcast %add3A_415 : i32 to vector<1x1024xi32>
    %add3A_417 = arith.addi %convert_element_type3A_414, %add3A_416 : vector<1x1024xi32>
    %lt3A_418 = arith.cmpf olt, %select_n3A_412, %select_n3A_352 : vector<1x1024xf32>
    %select_n3A_419 = arith.select %lt3A_418, %select_n3A_412, %select_n3A_352 : vector<1x1024xi1>, vector<1x1024xf32>
    %select_n3A_420 = arith.select %lt3A_418, %add3A_417, %select_n3A_353 : vector<1x1024xi1>, vector<1x1024xi32>
    %get3A_421 = arith.constant 6144 : index
    %get3A_422 = arith.constant 0 : index
    %get3A_423 = vector.load %arg4[%get3A_421, %get3A_422] : memref<8192x32xf32, #tpu.memory_space<vmem>>, vector<1024x32xf32>
    %mul3A_424 = arith.mulf %get3A_423, %get3A_423 : vector<1024x32xf32>
    %reduce_sum3A_425 = arith.constant dense<0.000000e+00> : vector<1024xf32>
    %reduce_sum3A_426 = vector.multi_reduction <add>, %mul3A_424, %reduce_sum3A_425 [1] : vector<1024x32xf32> to vector<1024xf32>
    %broadcast_in_dim3A_427 = vector.shape_cast %reduce_sum3A_426 : vector<1024xf32> to vector<1024x1xf32>
    %add3A_428 = vector.broadcast %broadcast_in_dim3A : vector<1x1024xf32> to vector<1024x1024xf32>
    %add3A_429 = vector.broadcast %broadcast_in_dim3A_427 : vector<1024x1xf32> to vector<1024x1024xf32>
    %add3A_430 = arith.addf %add3A_428, %add3A_429 : vector<1024x1024xf32>
    %add3A_431 = arith.addf %get3A_423, %get3A_423 : vector<1024x32xf32>
    %dot_general3A_432 = arith.constant dense<0.000000e+00> : vector<1024x1024xf32>
    %dot_general3A_433 = tpu.matmul %add3A_431, %convert_element_type3A, %dot_general3A_432 {dimension_numbers = #tpu.dot_dimension_numbers<[1], [0], [0], [1], [0, 0, 1, 1], [], []>, transpose_lhs_hint = false} : vector<1024x32xf32>, vector<32x1024xbf16>, vector<1024x1024xf32> -> vector<1024x1024xf32>
    %sub3A_434 = arith.subf %add3A_430, %dot_general3A_433 : vector<1024x1024xf32>
    %swap3A_435 = arith.constant 0 : index
    %swap3A_436 = arith.constant 0 : index
    %swap3A_437 = vector.load %arg7[%swap3A_435, %swap3A_436] : memref<1024x1024xf32, #tpu.memory_space<vmem>>, vector<1024x1024xf32>
    tpu.vector_store %arg7[%swap3A_435, %swap3A_436], %sub3A_434 {strides = array<i32>} : memref<1024x1024xf32, #tpu.memory_space<vmem>>, vector<1024x1024xf32>,
    %broadcast_in_dim3A_438 = arith.constant 0x7F800000 : f32
    %broadcast_in_dim3A_439 = vector.broadcast %broadcast_in_dim3A_438 : f32 to vector<8x1024xf32>
    %broadcast_in_dim3A_440 = arith.constant 0.000000e+00 : f32
    %broadcast_in_dim3A_441 = vector.broadcast %broadcast_in_dim3A_440 : f32 to vector<8x1024xf32>
    %scan3A_442 = arith.constant 0 : i32
    %scan3A_443 = arith.constant 128 : i32
    %scan3A_444 = arith.addi %scan3A_442, %scan3A_443 : i32
    %scan3A_445 = arith.constant 8 : i32
    %scan3A_446:2 = scf.for %scan3A_569 = %scan3A_442 to %scan3A_444 step %scan3A_445 iter_args(%scan3A_570 = %broadcast_in_dim3A_439, %scan3A_571 = %broadcast_in_dim3A_441) -> (vector<8x1024xf32>, vector<8x1024xf32>)  : i32 {
      %mul3A_572 = arith.constant 8 : i32
      %mul3A_573 = arith.muli %scan3A_569, %mul3A_572 : i32
      %multiple_of3A = tpu.assume_multiple %mul3A_573, 8 : i32
      %get3A_574 = arith.index_cast %multiple_of3A : i32 to index
      %get3A_575 = arith.constant 0 : index
      %get3A_576 = vector.load %arg7[%get3A_574, %get3A_575] : memref<1024x1024xf32, #tpu.memory_space<vmem>>, vector<8x1024xf32>
      %mul3A_577 = arith.constant 8 : i32
      %mul3A_578 = arith.muli %scan3A_569, %mul3A_577 : i32
      %convert_element_type3A_579 = arith.sitofp %mul3A_578 : i32 to f32
      %add3A_580 = vector.broadcast %convert_element_type3A_579 : f32 to vector<8x1024xf32>
      %add3A_581 = arith.addf %convert_element_type3A_18, %add3A_580 : vector<8x1024xf32>
      %lt3A_582 = arith.cmpf olt, %get3A_576, %scan3A_570 : vector<8x1024xf32>
      %select_n3A_583 = arith.select %lt3A_582, %get3A_576, %scan3A_570 : vector<8x1024xi1>, vector<8x1024xf32>
      %select_n3A_584 = arith.select %lt3A_582, %add3A_581, %scan3A_571 : vector<8x1024xi1>, vector<8x1024xf32>
      %scan3A_585 = arith.constant 1 : i32
      %scan3A_586 = arith.addi %scan3A_569, %scan3A_585 : i32
      %mul3A_587 = arith.constant 8 : i32
      %mul3A_588 = arith.muli %scan3A_586, %mul3A_587 : i32
      %multiple_of3A_589 = tpu.assume_multiple %mul3A_588, 8 : i32
      %get3A_590 = arith.index_cast %multiple_of3A_589 : i32 to index
      %get3A_591 = arith.constant 0 : index
      %get3A_592 = vector.load %arg7[%get3A_590, %get3A_591] : memref<1024x1024xf32, #tpu.memory_space<vmem>>, vector<8x1024xf32>
      %mul3A_593 = arith.constant 8 : i32
      %mul3A_594 = arith.muli %scan3A_586, %mul3A_593 : i32
      %convert_element_type3A_595 = arith.sitofp %mul3A_594 : i32 to f32
      %add3A_596 = vector.broadcast %convert_element_type3A_595 : f32 to vector<8x1024xf32>
      %add3A_597 = arith.addf %convert_element_type3A_18, %add3A_596 : vector<8x1024xf32>
      %lt3A_598 = arith.cmpf olt, %get3A_592, %select_n3A_583 : vector<8x1024xf32>
      %select_n3A_599 = arith.select %lt3A_598, %get3A_592, %select_n3A_583 : vector<8x1024xi1>, vector<8x1024xf32>
      %select_n3A_600 = arith.select %lt3A_598, %add3A_597, %select_n3A_584 : vector<8x1024xi1>, vector<8x1024xf32>
      %scan3A_601 = arith.constant 2 : i32
      %scan3A_602 = arith.addi %scan3A_569, %scan3A_601 : i32
      %mul3A_603 = arith.constant 8 : i32
      %mul3A_604 = arith.muli %scan3A_602, %mul3A_603 : i32
      %multiple_of3A_605 = tpu.assume_multiple %mul3A_604, 8 : i32
      %get3A_606 = arith.index_cast %multiple_of3A_605 : i32 to index
      %get3A_607 = arith.constant 0 : index
      %get3A_608 = vector.load %arg7[%get3A_606, %get3A_607] : memref<1024x1024xf32, #tpu.memory_space<vmem>>, vector<8x1024xf32>
      %mul3A_609 = arith.constant 8 : i32
      %mul3A_610 = arith.muli %scan3A_602, %mul3A_609 : i32
      %convert_element_type3A_611 = arith.sitofp %mul3A_610 : i32 to f32
      %add3A_612 = vector.broadcast %convert_element_type3A_611 : f32 to vector<8x1024xf32>
      %add3A_613 = arith.addf %convert_element_type3A_18, %add3A_612 : vector<8x1024xf32>
      %lt3A_614 = arith.cmpf olt, %get3A_608, %select_n3A_599 : vector<8x1024xf32>
      %select_n3A_615 = arith.select %lt3A_614, %get3A_608, %select_n3A_599 : vector<8x1024xi1>, vector<8x1024xf32>
      %select_n3A_616 = arith.select %lt3A_614, %add3A_613, %select_n3A_600 : vector<8x1024xi1>, vector<8x1024xf32>
      %scan3A_617 = arith.constant 3 : i32
      %scan3A_618 = arith.addi %scan3A_569, %scan3A_617 : i32
      %mul3A_619 = arith.constant 8 : i32
      %mul3A_620 = arith.muli %scan3A_618, %mul3A_619 : i32
      %multiple_of3A_621 = tpu.assume_multiple %mul3A_620, 8 : i32
      %get3A_622 = arith.index_cast %multiple_of3A_621 : i32 to index
      %get3A_623 = arith.constant 0 : index
      %get3A_624 = vector.load %arg7[%get3A_622, %get3A_623] : memref<1024x1024xf32, #tpu.memory_space<vmem>>, vector<8x1024xf32>
      %mul3A_625 = arith.constant 8 : i32
      %mul3A_626 = arith.muli %scan3A_618, %mul3A_625 : i32
      %convert_element_type3A_627 = arith.sitofp %mul3A_626 : i32 to f32
      %add3A_628 = vector.broadcast %convert_element_type3A_627 : f32 to vector<8x1024xf32>
      %add3A_629 = arith.addf %convert_element_type3A_18, %add3A_628 : vector<8x1024xf32>
      %lt3A_630 = arith.cmpf olt, %get3A_624, %select_n3A_615 : vector<8x1024xf32>
      %select_n3A_631 = arith.select %lt3A_630, %get3A_624, %select_n3A_615 : vector<8x1024xi1>, vector<8x1024xf32>
      %select_n3A_632 = arith.select %lt3A_630, %add3A_629, %select_n3A_616 : vector<8x1024xi1>, vector<8x1024xf32>
      %scan3A_633 = arith.constant 4 : i32
      %scan3A_634 = arith.addi %scan3A_569, %scan3A_633 : i32
      %mul3A_635 = arith.constant 8 : i32
      %mul3A_636 = arith.muli %scan3A_634, %mul3A_635 : i32
      %multiple_of3A_637 = tpu.assume_multiple %mul3A_636, 8 : i32
      %get3A_638 = arith.index_cast %multiple_of3A_637 : i32 to index
      %get3A_639 = arith.constant 0 : index
      %get3A_640 = vector.load %arg7[%get3A_638, %get3A_639] : memref<1024x1024xf32, #tpu.memory_space<vmem>>, vector<8x1024xf32>
      %mul3A_641 = arith.constant 8 : i32
      %mul3A_642 = arith.muli %scan3A_634, %mul3A_641 : i32
      %convert_element_type3A_643 = arith.sitofp %mul3A_642 : i32 to f32
      %add3A_644 = vector.broadcast %convert_element_type3A_643 : f32 to vector<8x1024xf32>
      %add3A_645 = arith.addf %convert_element_type3A_18, %add3A_644 : vector<8x1024xf32>
      %lt3A_646 = arith.cmpf olt, %get3A_640, %select_n3A_631 : vector<8x1024xf32>
      %select_n3A_647 = arith.select %lt3A_646, %get3A_640, %select_n3A_631 : vector<8x1024xi1>, vector<8x1024xf32>
      %select_n3A_648 = arith.select %lt3A_646, %add3A_645, %select_n3A_632 : vector<8x1024xi1>, vector<8x1024xf32>
      %scan3A_649 = arith.constant 5 : i32
      %scan3A_650 = arith.addi %scan3A_569, %scan3A_649 : i32
      %mul3A_651 = arith.constant 8 : i32
      %mul3A_652 = arith.muli %scan3A_650, %mul3A_651 : i32
      %multiple_of3A_653 = tpu.assume_multiple %mul3A_652, 8 : i32
      %get3A_654 = arith.index_cast %multiple_of3A_653 : i32 to index
      %get3A_655 = arith.constant 0 : index
      %get3A_656 = vector.load %arg7[%get3A_654, %get3A_655] : memref<1024x1024xf32, #tpu.memory_space<vmem>>, vector<8x1024xf32>
      %mul3A_657 = arith.constant 8 : i32
      %mul3A_658 = arith.muli %scan3A_650, %mul3A_657 : i32
      %convert_element_type3A_659 = arith.sitofp %mul3A_658 : i32 to f32
      %add3A_660 = vector.broadcast %convert_element_type3A_659 : f32 to vector<8x1024xf32>
      %add3A_661 = arith.addf %convert_element_type3A_18, %add3A_660 : vector<8x1024xf32>
      %lt3A_662 = arith.cmpf olt, %get3A_656, %select_n3A_647 : vector<8x1024xf32>
      %select_n3A_663 = arith.select %lt3A_662, %get3A_656, %select_n3A_647 : vector<8x1024xi1>, vector<8x1024xf32>
      %select_n3A_664 = arith.select %lt3A_662, %add3A_661, %select_n3A_648 : vector<8x1024xi1>, vector<8x1024xf32>
      %scan3A_665 = arith.constant 6 : i32
      %scan3A_666 = arith.addi %scan3A_569, %scan3A_665 : i32
      %mul3A_667 = arith.constant 8 : i32
      %mul3A_668 = arith.muli %scan3A_666, %mul3A_667 : i32
      %multiple_of3A_669 = tpu.assume_multiple %mul3A_668, 8 : i32
      %get3A_670 = arith.index_cast %multiple_of3A_669 : i32 to index
      %get3A_671 = arith.constant 0 : index
      %get3A_672 = vector.load %arg7[%get3A_670, %get3A_671] : memref<1024x1024xf32, #tpu.memory_space<vmem>>, vector<8x1024xf32>
      %mul3A_673 = arith.constant 8 : i32
      %mul3A_674 = arith.muli %scan3A_666, %mul3A_673 : i32
      %convert_element_type3A_675 = arith.sitofp %mul3A_674 : i32 to f32
      %add3A_676 = vector.broadcast %convert_element_type3A_675 : f32 to vector<8x1024xf32>
      %add3A_677 = arith.addf %convert_element_type3A_18, %add3A_676 : vector<8x1024xf32>
      %lt3A_678 = arith.cmpf olt, %get3A_672, %select_n3A_663 : vector<8x1024xf32>
      %select_n3A_679 = arith.select %lt3A_678, %get3A_672, %select_n3A_663 : vector<8x1024xi1>, vector<8x1024xf32>
      %select_n3A_680 = arith.select %lt3A_678, %add3A_677, %select_n3A_664 : vector<8x1024xi1>, vector<8x1024xf32>
      %scan3A_681 = arith.constant 7 : i32
      %scan3A_682 = arith.addi %scan3A_569, %scan3A_681 : i32
      %mul3A_683 = arith.constant 8 : i32
      %mul3A_684 = arith.muli %scan3A_682, %mul3A_683 : i32
      %multiple_of3A_685 = tpu.assume_multiple %mul3A_684, 8 : i32
      %get3A_686 = arith.index_cast %multiple_of3A_685 : i32 to index
      %get3A_687 = arith.constant 0 : index
      %get3A_688 = vector.load %arg7[%get3A_686, %get3A_687] : memref<1024x1024xf32, #tpu.memory_space<vmem>>, vector<8x1024xf32>
      %mul3A_689 = arith.constant 8 : i32
      %mul3A_690 = arith.muli %scan3A_682, %mul3A_689 : i32
      %convert_element_type3A_691 = arith.sitofp %mul3A_690 : i32 to f32
      %add3A_692 = vector.broadcast %convert_element_type3A_691 : f32 to vector<8x1024xf32>
      %add3A_693 = arith.addf %convert_element_type3A_18, %add3A_692 : vector<8x1024xf32>
      %lt3A_694 = arith.cmpf olt, %get3A_688, %select_n3A_679 : vector<8x1024xf32>
      %select_n3A_695 = arith.select %lt3A_694, %get3A_688, %select_n3A_679 : vector<8x1024xi1>, vector<8x1024xf32>
      %select_n3A_696 = arith.select %lt3A_694, %add3A_693, %select_n3A_680 : vector<8x1024xi1>, vector<8x1024xf32>
      scf.yield %select_n3A_695, %select_n3A_696 : vector<8x1024xf32>, vector<8x1024xf32>
    }
    %scan3A_447 = arith.constant 128 : i32
    %slice3A_448 = vector.extract_strided_slice %scan3A_446#0 {offsets = [0, 0], sizes = [4, 1024], strides = [1, 1]} : vector<8x1024xf32> to vector<4x1024xf32>
    %slice3A_449 = vector.extract_strided_slice %scan3A_446#0 {offsets = [4, 0], sizes = [4, 1024], strides = [1, 1]} : vector<8x1024xf32> to vector<4x1024xf32>
    %slice3A_450 = vector.extract_strided_slice %scan3A_446#1 {offsets = [0, 0], sizes = [4, 1024], strides = [1, 1]} : vector<8x1024xf32> to vector<4x1024xf32>
    %slice3A_451 = vector.extract_strided_slice %scan3A_446#1 {offsets = [4, 0], sizes = [4, 1024], strides = [1, 1]} : vector<8x1024xf32> to vector<4x1024xf32>
    %lt3A_452 = arith.cmpf olt, %slice3A_448, %slice3A_449 : vector<4x1024xf32>
    %eq3A_453 = arith.cmpf oeq, %slice3A_448, %slice3A_449 : vector<4x1024xf32>
    %lt3A_454 = arith.cmpf olt, %slice3A_450, %slice3A_451 : vector<4x1024xf32>
    %and3A_455 = arith.andi %eq3A_453, %lt3A_454 : vector<4x1024xi1>
    %or3A_456 = arith.ori %lt3A_452, %and3A_455 : vector<4x1024xi1>
    %select_n3A_457 = arith.select %or3A_456, %slice3A_448, %slice3A_449 : vector<4x1024xi1>, vector<4x1024xf32>
    %select_n3A_458 = arith.select %or3A_456, %slice3A_450, %slice3A_451 : vector<4x1024xi1>, vector<4x1024xf32>
    %slice3A_459 = vector.extract_strided_slice %select_n3A_457 {offsets = [0, 0], sizes = [2, 1024], strides = [1, 1]} : vector<4x1024xf32> to vector<2x1024xf32>
    %slice3A_460 = vector.extract_strided_slice %select_n3A_457 {offsets = [2, 0], sizes = [2, 1024], strides = [1, 1]} : vector<4x1024xf32> to vector<2x1024xf32>
    %slice3A_461 = vector.extract_strided_slice %select_n3A_458 {offsets = [0, 0], sizes = [2, 1024], strides = [1, 1]} : vector<4x1024xf32> to vector<2x1024xf32>
    %slice3A_462 = vector.extract_strided_slice %select_n3A_458 {offsets = [2, 0], sizes = [2, 1024], strides = [1, 1]} : vector<4x1024xf32> to vector<2x1024xf32>
    %lt3A_463 = arith.cmpf olt, %slice3A_459, %slice3A_460 : vector<2x1024xf32>
    %eq3A_464 = arith.cmpf oeq, %slice3A_459, %slice3A_460 : vector<2x1024xf32>
    %lt3A_465 = arith.cmpf olt, %slice3A_461, %slice3A_462 : vector<2x1024xf32>
    %and3A_466 = arith.andi %eq3A_464, %lt3A_465 : vector<2x1024xi1>
    %or3A_467 = arith.ori %lt3A_463, %and3A_466 : vector<2x1024xi1>
    %select_n3A_468 = arith.select %or3A_467, %slice3A_459, %slice3A_460 : vector<2x1024xi1>, vector<2x1024xf32>
    %select_n3A_469 = arith.select %or3A_467, %slice3A_461, %slice3A_462 : vector<2x1024xi1>, vector<2x1024xf32>
    %slice3A_470 = vector.extract_strided_slice %select_n3A_468 {offsets = [0, 0], sizes = [1, 1024], strides = [1, 1]} : vector<2x1024xf32> to vector<1x1024xf32>
    %slice3A_471 = vector.extract_strided_slice %select_n3A_468 {offsets = [1, 0], sizes = [1, 1024], strides = [1, 1]} : vector<2x1024xf32> to vector<1x1024xf32>
    %slice3A_472 = vector.extract_strided_slice %select_n3A_469 {offsets = [0, 0], sizes = [1, 1024], strides = [1, 1]} : vector<2x1024xf32> to vector<1x1024xf32>
    %slice3A_473 = vector.extract_strided_slice %select_n3A_469 {offsets = [1, 0], sizes = [1, 1024], strides = [1, 1]} : vector<2x1024xf32> to vector<1x1024xf32>
    %lt3A_474 = arith.cmpf olt, %slice3A_470, %slice3A_471 : vector<1x1024xf32>
    %eq3A_475 = arith.cmpf oeq, %slice3A_470, %slice3A_471 : vector<1x1024xf32>
    %lt3A_476 = arith.cmpf olt, %slice3A_472, %slice3A_473 : vector<1x1024xf32>
    %and3A_477 = arith.andi %eq3A_475, %lt3A_476 : vector<1x1024xi1>
    %or3A_478 = arith.ori %lt3A_474, %and3A_477 : vector<1x1024xi1>
    %select_n3A_479 = arith.select %or3A_478, %slice3A_470, %slice3A_471 : vector<1x1024xi1>, vector<1x1024xf32>
    %select_n3A_480 = arith.select %or3A_478, %slice3A_472, %slice3A_473 : vector<1x1024xi1>, vector<1x1024xf32>
    %convert_element_type3A_481 = arith.fptosi %select_n3A_480 : vector<1x1024xf32> to vector<1x1024xi32>
    %add3A_482 = arith.constant 6144 : i32
    %add3A_483 = vector.broadcast %add3A_482 : i32 to vector<1x1024xi32>
    %add3A_484 = arith.addi %convert_element_type3A_481, %add3A_483 : vector<1x1024xi32>
    %lt3A_485 = arith.cmpf olt, %select_n3A_479, %select_n3A_419 : vector<1x1024xf32>
    %select_n3A_486 = arith.select %lt3A_485, %select_n3A_479, %select_n3A_419 : vector<1x1024xi1>, vector<1x1024xf32>
    %select_n3A_487 = arith.select %lt3A_485, %add3A_484, %select_n3A_420 : vector<1x1024xi1>, vector<1x1024xi32>
    %get3A_488 = arith.constant 7168 : index
    %get3A_489 = arith.constant 0 : index
    %get3A_490 = vector.load %arg4[%get3A_488, %get3A_489] : memref<8192x32xf32, #tpu.memory_space<vmem>>, vector<1024x32xf32>
    %mul3A_491 = arith.mulf %get3A_490, %get3A_490 : vector<1024x32xf32>
    %reduce_sum3A_492 = arith.constant dense<0.000000e+00> : vector<1024xf32>
    %reduce_sum3A_493 = vector.multi_reduction <add>, %mul3A_491, %reduce_sum3A_492 [1] : vector<1024x32xf32> to vector<1024xf32>
    %broadcast_in_dim3A_494 = vector.shape_cast %reduce_sum3A_493 : vector<1024xf32> to vector<1024x1xf32>
    %add3A_495 = vector.broadcast %broadcast_in_dim3A : vector<1x1024xf32> to vector<1024x1024xf32>
    %add3A_496 = vector.broadcast %broadcast_in_dim3A_494 : vector<1024x1xf32> to vector<1024x1024xf32>
    %add3A_497 = arith.addf %add3A_495, %add3A_496 : vector<1024x1024xf32>
    %add3A_498 = arith.addf %get3A_490, %get3A_490 : vector<1024x32xf32>
    %dot_general3A_499 = arith.constant dense<0.000000e+00> : vector<1024x1024xf32>
    %dot_general3A_500 = tpu.matmul %add3A_498, %convert_element_type3A, %dot_general3A_499 {dimension_numbers = #tpu.dot_dimension_numbers<[1], [0], [0], [1], [0, 0, 1, 1], [], []>, transpose_lhs_hint = false} : vector<1024x32xf32>, vector<32x1024xbf16>, vector<1024x1024xf32> -> vector<1024x1024xf32>
    %sub3A_501 = arith.subf %add3A_497, %dot_general3A_500 : vector<1024x1024xf32>
    %swap3A_502 = arith.constant 0 : index
    %swap3A_503 = arith.constant 0 : index
    %swap3A_504 = vector.load %arg7[%swap3A_502, %swap3A_503] : memref<1024x1024xf32, #tpu.memory_space<vmem>>, vector<1024x1024xf32>
    tpu.vector_store %arg7[%swap3A_502, %swap3A_503], %sub3A_501 {strides = array<i32>} : memref<1024x1024xf32, #tpu.memory_space<vmem>>, vector<1024x1024xf32>,
    %broadcast_in_dim3A_505 = arith.constant 0x7F800000 : f32
    %broadcast_in_dim3A_506 = vector.broadcast %broadcast_in_dim3A_505 : f32 to vector<8x1024xf32>
    %broadcast_in_dim3A_507 = arith.constant 0.000000e+00 : f32
    %broadcast_in_dim3A_508 = vector.broadcast %broadcast_in_dim3A_507 : f32 to vector<8x1024xf32>
    %scan3A_509 = arith.constant 0 : i32
    %scan3A_510 = arith.constant 128 : i32
    %scan3A_511 = arith.addi %scan3A_509, %scan3A_510 : i32
    %scan3A_512 = arith.constant 8 : i32
    %scan3A_513:2 = scf.for %scan3A_569 = %scan3A_509 to %scan3A_511 step %scan3A_512 iter_args(%scan3A_570 = %broadcast_in_dim3A_506, %scan3A_571 = %broadcast_in_dim3A_508) -> (vector<8x1024xf32>, vector<8x1024xf32>)  : i32 {
      %mul3A_572 = arith.constant 8 : i32
      %mul3A_573 = arith.muli %scan3A_569, %mul3A_572 : i32
      %multiple_of3A = tpu.assume_multiple %mul3A_573, 8 : i32
      %get3A_574 = arith.index_cast %multiple_of3A : i32 to index
      %get3A_575 = arith.constant 0 : index
      %get3A_576 = vector.load %arg7[%get3A_574, %get3A_575] : memref<1024x1024xf32, #tpu.memory_space<vmem>>, vector<8x1024xf32>
      %mul3A_577 = arith.constant 8 : i32
      %mul3A_578 = arith.muli %scan3A_569, %mul3A_577 : i32
      %convert_element_type3A_579 = arith.sitofp %mul3A_578 : i32 to f32
      %add3A_580 = vector.broadcast %convert_element_type3A_579 : f32 to vector<8x1024xf32>
      %add3A_581 = arith.addf %convert_element_type3A_18, %add3A_580 : vector<8x1024xf32>
      %lt3A_582 = arith.cmpf olt, %get3A_576, %scan3A_570 : vector<8x1024xf32>
      %select_n3A_583 = arith.select %lt3A_582, %get3A_576, %scan3A_570 : vector<8x1024xi1>, vector<8x1024xf32>
      %select_n3A_584 = arith.select %lt3A_582, %add3A_581, %scan3A_571 : vector<8x1024xi1>, vector<8x1024xf32>
      %scan3A_585 = arith.constant 1 : i32
      %scan3A_586 = arith.addi %scan3A_569, %scan3A_585 : i32
      %mul3A_587 = arith.constant 8 : i32
      %mul3A_588 = arith.muli %scan3A_586, %mul3A_587 : i32
      %multiple_of3A_589 = tpu.assume_multiple %mul3A_588, 8 : i32
      %get3A_590 = arith.index_cast %multiple_of3A_589 : i32 to index
      %get3A_591 = arith.constant 0 : index
      %get3A_592 = vector.load %arg7[%get3A_590, %get3A_591] : memref<1024x1024xf32, #tpu.memory_space<vmem>>, vector<8x1024xf32>
      %mul3A_593 = arith.constant 8 : i32
      %mul3A_594 = arith.muli %scan3A_586, %mul3A_593 : i32
      %convert_element_type3A_595 = arith.sitofp %mul3A_594 : i32 to f32
      %add3A_596 = vector.broadcast %convert_element_type3A_595 : f32 to vector<8x1024xf32>
      %add3A_597 = arith.addf %convert_element_type3A_18, %add3A_596 : vector<8x1024xf32>
      %lt3A_598 = arith.cmpf olt, %get3A_592, %select_n3A_583 : vector<8x1024xf32>
      %select_n3A_599 = arith.select %lt3A_598, %get3A_592, %select_n3A_583 : vector<8x1024xi1>, vector<8x1024xf32>
      %select_n3A_600 = arith.select %lt3A_598, %add3A_597, %select_n3A_584 : vector<8x1024xi1>, vector<8x1024xf32>
      %scan3A_601 = arith.constant 2 : i32
      %scan3A_602 = arith.addi %scan3A_569, %scan3A_601 : i32
      %mul3A_603 = arith.constant 8 : i32
      %mul3A_604 = arith.muli %scan3A_602, %mul3A_603 : i32
      %multiple_of3A_605 = tpu.assume_multiple %mul3A_604, 8 : i32
      %get3A_606 = arith.index_cast %multiple_of3A_605 : i32 to index
      %get3A_607 = arith.constant 0 : index
      %get3A_608 = vector.load %arg7[%get3A_606, %get3A_607] : memref<1024x1024xf32, #tpu.memory_space<vmem>>, vector<8x1024xf32>
      %mul3A_609 = arith.constant 8 : i32
      %mul3A_610 = arith.muli %scan3A_602, %mul3A_609 : i32
      %convert_element_type3A_611 = arith.sitofp %mul3A_610 : i32 to f32
      %add3A_612 = vector.broadcast %convert_element_type3A_611 : f32 to vector<8x1024xf32>
      %add3A_613 = arith.addf %convert_element_type3A_18, %add3A_612 : vector<8x1024xf32>
      %lt3A_614 = arith.cmpf olt, %get3A_608, %select_n3A_599 : vector<8x1024xf32>
      %select_n3A_615 = arith.select %lt3A_614, %get3A_608, %select_n3A_599 : vector<8x1024xi1>, vector<8x1024xf32>
      %select_n3A_616 = arith.select %lt3A_614, %add3A_613, %select_n3A_600 : vector<8x1024xi1>, vector<8x1024xf32>
      %scan3A_617 = arith.constant 3 : i32
      %scan3A_618 = arith.addi %scan3A_569, %scan3A_617 : i32
      %mul3A_619 = arith.constant 8 : i32
      %mul3A_620 = arith.muli %scan3A_618, %mul3A_619 : i32
      %multiple_of3A_621 = tpu.assume_multiple %mul3A_620, 8 : i32
      %get3A_622 = arith.index_cast %multiple_of3A_621 : i32 to index
      %get3A_623 = arith.constant 0 : index
      %get3A_624 = vector.load %arg7[%get3A_622, %get3A_623] : memref<1024x1024xf32, #tpu.memory_space<vmem>>, vector<8x1024xf32>
      %mul3A_625 = arith.constant 8 : i32
      %mul3A_626 = arith.muli %scan3A_618, %mul3A_625 : i32
      %convert_element_type3A_627 = arith.sitofp %mul3A_626 : i32 to f32
      %add3A_628 = vector.broadcast %convert_element_type3A_627 : f32 to vector<8x1024xf32>
      %add3A_629 = arith.addf %convert_element_type3A_18, %add3A_628 : vector<8x1024xf32>
      %lt3A_630 = arith.cmpf olt, %get3A_624, %select_n3A_615 : vector<8x1024xf32>
      %select_n3A_631 = arith.select %lt3A_630, %get3A_624, %select_n3A_615 : vector<8x1024xi1>, vector<8x1024xf32>
      %select_n3A_632 = arith.select %lt3A_630, %add3A_629, %select_n3A_616 : vector<8x1024xi1>, vector<8x1024xf32>
      %scan3A_633 = arith.constant 4 : i32
      %scan3A_634 = arith.addi %scan3A_569, %scan3A_633 : i32
      %mul3A_635 = arith.constant 8 : i32
      %mul3A_636 = arith.muli %scan3A_634, %mul3A_635 : i32
      %multiple_of3A_637 = tpu.assume_multiple %mul3A_636, 8 : i32
      %get3A_638 = arith.index_cast %multiple_of3A_637 : i32 to index
      %get3A_639 = arith.constant 0 : index
      %get3A_640 = vector.load %arg7[%get3A_638, %get3A_639] : memref<1024x1024xf32, #tpu.memory_space<vmem>>, vector<8x1024xf32>
      %mul3A_641 = arith.constant 8 : i32
      %mul3A_642 = arith.muli %scan3A_634, %mul3A_641 : i32
      %convert_element_type3A_643 = arith.sitofp %mul3A_642 : i32 to f32
      %add3A_644 = vector.broadcast %convert_element_type3A_643 : f32 to vector<8x1024xf32>
      %add3A_645 = arith.addf %convert_element_type3A_18, %add3A_644 : vector<8x1024xf32>
      %lt3A_646 = arith.cmpf olt, %get3A_640, %select_n3A_631 : vector<8x1024xf32>
      %select_n3A_647 = arith.select %lt3A_646, %get3A_640, %select_n3A_631 : vector<8x1024xi1>, vector<8x1024xf32>
      %select_n3A_648 = arith.select %lt3A_646, %add3A_645, %select_n3A_632 : vector<8x1024xi1>, vector<8x1024xf32>
      %scan3A_649 = arith.constant 5 : i32
      %scan3A_650 = arith.addi %scan3A_569, %scan3A_649 : i32
      %mul3A_651 = arith.constant 8 : i32
      %mul3A_652 = arith.muli %scan3A_650, %mul3A_651 : i32
      %multiple_of3A_653 = tpu.assume_multiple %mul3A_652, 8 : i32
      %get3A_654 = arith.index_cast %multiple_of3A_653 : i32 to index
      %get3A_655 = arith.constant 0 : index
      %get3A_656 = vector.load %arg7[%get3A_654, %get3A_655] : memref<1024x1024xf32, #tpu.memory_space<vmem>>, vector<8x1024xf32>
      %mul3A_657 = arith.constant 8 : i32
      %mul3A_658 = arith.muli %scan3A_650, %mul3A_657 : i32
      %convert_element_type3A_659 = arith.sitofp %mul3A_658 : i32 to f32
      %add3A_660 = vector.broadcast %convert_element_type3A_659 : f32 to vector<8x1024xf32>
      %add3A_661 = arith.addf %convert_element_type3A_18, %add3A_660 : vector<8x1024xf32>
      %lt3A_662 = arith.cmpf olt, %get3A_656, %select_n3A_647 : vector<8x1024xf32>
      %select_n3A_663 = arith.select %lt3A_662, %get3A_656, %select_n3A_647 : vector<8x1024xi1>, vector<8x1024xf32>
      %select_n3A_664 = arith.select %lt3A_662, %add3A_661, %select_n3A_648 : vector<8x1024xi1>, vector<8x1024xf32>
      %scan3A_665 = arith.constant 6 : i32
      %scan3A_666 = arith.addi %scan3A_569, %scan3A_665 : i32
      %mul3A_667 = arith.constant 8 : i32
      %mul3A_668 = arith.muli %scan3A_666, %mul3A_667 : i32
      %multiple_of3A_669 = tpu.assume_multiple %mul3A_668, 8 : i32
      %get3A_670 = arith.index_cast %multiple_of3A_669 : i32 to index
      %get3A_671 = arith.constant 0 : index
      %get3A_672 = vector.load %arg7[%get3A_670, %get3A_671] : memref<1024x1024xf32, #tpu.memory_space<vmem>>, vector<8x1024xf32>
      %mul3A_673 = arith.constant 8 : i32
      %mul3A_674 = arith.muli %scan3A_666, %mul3A_673 : i32
      %convert_element_type3A_675 = arith.sitofp %mul3A_674 : i32 to f32
      %add3A_676 = vector.broadcast %convert_element_type3A_675 : f32 to vector<8x1024xf32>
      %add3A_677 = arith.addf %convert_element_type3A_18, %add3A_676 : vector<8x1024xf32>
      %lt3A_678 = arith.cmpf olt, %get3A_672, %select_n3A_663 : vector<8x1024xf32>
      %select_n3A_679 = arith.select %lt3A_678, %get3A_672, %select_n3A_663 : vector<8x1024xi1>, vector<8x1024xf32>
      %select_n3A_680 = arith.select %lt3A_678, %add3A_677, %select_n3A_664 : vector<8x1024xi1>, vector<8x1024xf32>
      %scan3A_681 = arith.constant 7 : i32
      %scan3A_682 = arith.addi %scan3A_569, %scan3A_681 : i32
      %mul3A_683 = arith.constant 8 : i32
      %mul3A_684 = arith.muli %scan3A_682, %mul3A_683 : i32
      %multiple_of3A_685 = tpu.assume_multiple %mul3A_684, 8 : i32
      %get3A_686 = arith.index_cast %multiple_of3A_685 : i32 to index
      %get3A_687 = arith.constant 0 : index
      %get3A_688 = vector.load %arg7[%get3A_686, %get3A_687] : memref<1024x1024xf32, #tpu.memory_space<vmem>>, vector<8x1024xf32>
      %mul3A_689 = arith.constant 8 : i32
      %mul3A_690 = arith.muli %scan3A_682, %mul3A_689 : i32
      %convert_element_type3A_691 = arith.sitofp %mul3A_690 : i32 to f32
      %add3A_692 = vector.broadcast %convert_element_type3A_691 : f32 to vector<8x1024xf32>
      %add3A_693 = arith.addf %convert_element_type3A_18, %add3A_692 : vector<8x1024xf32>
      %lt3A_694 = arith.cmpf olt, %get3A_688, %select_n3A_679 : vector<8x1024xf32>
      %select_n3A_695 = arith.select %lt3A_694, %get3A_688, %select_n3A_679 : vector<8x1024xi1>, vector<8x1024xf32>
      %select_n3A_696 = arith.select %lt3A_694, %add3A_693, %select_n3A_680 : vector<8x1024xi1>, vector<8x1024xf32>
      scf.yield %select_n3A_695, %select_n3A_696 : vector<8x1024xf32>, vector<8x1024xf32>
    }
    %scan3A_514 = arith.constant 128 : i32
    %slice3A_515 = vector.extract_strided_slice %scan3A_513#0 {offsets = [0, 0], sizes = [4, 1024], strides = [1, 1]} : vector<8x1024xf32> to vector<4x1024xf32>
    %slice3A_516 = vector.extract_strided_slice %scan3A_513#0 {offsets = [4, 0], sizes = [4, 1024], strides = [1, 1]} : vector<8x1024xf32> to vector<4x1024xf32>
    %slice3A_517 = vector.extract_strided_slice %scan3A_513#1 {offsets = [0, 0], sizes = [4, 1024], strides = [1, 1]} : vector<8x1024xf32> to vector<4x1024xf32>
    %slice3A_518 = vector.extract_strided_slice %scan3A_513#1 {offsets = [4, 0], sizes = [4, 1024], strides = [1, 1]} : vector<8x1024xf32> to vector<4x1024xf32>
    %lt3A_519 = arith.cmpf olt, %slice3A_515, %slice3A_516 : vector<4x1024xf32>
    %eq3A_520 = arith.cmpf oeq, %slice3A_515, %slice3A_516 : vector<4x1024xf32>
    %lt3A_521 = arith.cmpf olt, %slice3A_517, %slice3A_518 : vector<4x1024xf32>
    %and3A_522 = arith.andi %eq3A_520, %lt3A_521 : vector<4x1024xi1>
    %or3A_523 = arith.ori %lt3A_519, %and3A_522 : vector<4x1024xi1>
    %select_n3A_524 = arith.select %or3A_523, %slice3A_515, %slice3A_516 : vector<4x1024xi1>, vector<4x1024xf32>
    %select_n3A_525 = arith.select %or3A_523, %slice3A_517, %slice3A_518 : vector<4x1024xi1>, vector<4x1024xf32>
    %slice3A_526 = vector.extract_strided_slice %select_n3A_524 {offsets = [0, 0], sizes = [2, 1024], strides = [1, 1]} : vector<4x1024xf32> to vector<2x1024xf32>
    %slice3A_527 = vector.extract_strided_slice %select_n3A_524 {offsets = [2, 0], sizes = [2, 1024], strides = [1, 1]} : vector<4x1024xf32> to vector<2x1024xf32>
    %slice3A_528 = vector.extract_strided_slice %select_n3A_525 {offsets = [0, 0], sizes = [2, 1024], strides = [1, 1]} : vector<4x1024xf32> to vector<2x1024xf32>
    %slice3A_529 = vector.extract_strided_slice %select_n3A_525 {offsets = [2, 0], sizes = [2, 1024], strides = [1, 1]} : vector<4x1024xf32> to vector<2x1024xf32>
    %lt3A_530 = arith.cmpf olt, %slice3A_526, %slice3A_527 : vector<2x1024xf32>
    %eq3A_531 = arith.cmpf oeq, %slice3A_526, %slice3A_527 : vector<2x1024xf32>
    %lt3A_532 = arith.cmpf olt, %slice3A_528, %slice3A_529 : vector<2x1024xf32>
    %and3A_533 = arith.andi %eq3A_531, %lt3A_532 : vector<2x1024xi1>
    %or3A_534 = arith.ori %lt3A_530, %and3A_533 : vector<2x1024xi1>
    %select_n3A_535 = arith.select %or3A_534, %slice3A_526, %slice3A_527 : vector<2x1024xi1>, vector<2x1024xf32>
    %select_n3A_536 = arith.select %or3A_534, %slice3A_528, %slice3A_529 : vector<2x1024xi1>, vector<2x1024xf32>
    %slice3A_537 = vector.extract_strided_slice %select_n3A_535 {offsets = [0, 0], sizes = [1, 1024], strides = [1, 1]} : vector<2x1024xf32> to vector<1x1024xf32>
    %slice3A_538 = vector.extract_strided_slice %select_n3A_535 {offsets = [1, 0], sizes = [1, 1024], strides = [1, 1]} : vector<2x1024xf32> to vector<1x1024xf32>
    %slice3A_539 = vector.extract_strided_slice %select_n3A_536 {offsets = [0, 0], sizes = [1, 1024], strides = [1, 1]} : vector<2x1024xf32> to vector<1x1024xf32>
    %slice3A_540 = vector.extract_strided_slice %select_n3A_536 {offsets = [1, 0], sizes = [1, 1024], strides = [1, 1]} : vector<2x1024xf32> to vector<1x1024xf32>
    %lt3A_541 = arith.cmpf olt, %slice3A_537, %slice3A_538 : vector<1x1024xf32>
    %eq3A_542 = arith.cmpf oeq, %slice3A_537, %slice3A_538 : vector<1x1024xf32>
    %lt3A_543 = arith.cmpf olt, %slice3A_539, %slice3A_540 : vector<1x1024xf32>
    %and3A_544 = arith.andi %eq3A_542, %lt3A_543 : vector<1x1024xi1>
    %or3A_545 = arith.ori %lt3A_541, %and3A_544 : vector<1x1024xi1>
    %select_n3A_546 = arith.select %or3A_545, %slice3A_537, %slice3A_538 : vector<1x1024xi1>, vector<1x1024xf32>
    %select_n3A_547 = arith.select %or3A_545, %slice3A_539, %slice3A_540 : vector<1x1024xi1>, vector<1x1024xf32>
    %convert_element_type3A_548 = arith.fptosi %select_n3A_547 : vector<1x1024xf32> to vector<1x1024xi32>
    %add3A_549 = arith.constant 7168 : i32
    %add3A_550 = vector.broadcast %add3A_549 : i32 to vector<1x1024xi32>
    %add3A_551 = arith.addi %convert_element_type3A_548, %add3A_550 : vector<1x1024xi32>
    %lt3A_552 = arith.cmpf olt, %select_n3A_546, %select_n3A_486 : vector<1x1024xf32>
    %select_n3A_553 = arith.select %lt3A_552, %select_n3A_546, %select_n3A_486 : vector<1x1024xi1>, vector<1x1024xf32>
    %select_n3A_554 = arith.select %lt3A_552, %add3A_551, %select_n3A_487 : vector<1x1024xi1>, vector<1x1024xi32>
    %convert_element_type3A_555 = arith.truncf %select_n3A_281 : vector<1x1024xf32> to vector<1x1024xbf16>
    %convert_element_type3A_556 = arith.extf %convert_element_type3A_555 : vector<1x1024xbf16> to vector<1x1024xf32>
    %lt3A_557 = arith.cmpf olt, %convert_element_type3A_556, %select_n3A_553 : vector<1x1024xf32>
    %eq3A_558 = arith.cmpf oeq, %convert_element_type3A_556, %select_n3A_553 : vector<1x1024xf32>
    %lt3A_559 = arith.cmpi slt, %select_n3A_282, %select_n3A_554 : vector<1x1024xi32>
    %and3A_560 = arith.andi %eq3A_558, %lt3A_559 : vector<1x1024xi1>
    %or3A_561 = arith.ori %lt3A_557, %and3A_560 : vector<1x1024xi1>
    %select_n3A_562 = arith.select %or3A_561, %select_n3A_282, %select_n3A_554 : vector<1x1024xi1>, vector<1x1024xi32>
    %swap3A_563 = arith.constant 0 : index
    %swap3A_564 = arith.constant 0 : index
    %swap3A_565 = arith.constant 0 : index
    %swap3A_566 = vector.load %arg6[%swap3A_563, %swap3A_564, %swap3A_565] : memref<1x1x1024xi32, #tpu.memory_space<vmem>>, vector<1x1x1024xi32>
    %swap3A_567 = vector.shape_cast %swap3A_566 : vector<1x1x1024xi32> to vector<1x1024xi32>
    %swap3A_568 = vector.shape_cast %select_n3A_562 : vector<1x1024xi32> to vector<1x1x1024xi32>
    tpu.vector_store %arg6[%swap3A_563, %swap3A_564, %swap3A_565], %swap3A_568 {strides = array<i32>} : memref<1x1x1024xi32, #tpu.memory_space<vmem>>, vector<1x1x1024xi32>,
    return
  }
  func.func @transform_0(%arg0: i32) -> (i32, i32, i32) {
    %c0_i32 = arith.constant 0 : i32
    %c0_i32_0 = arith.constant 0 : i32
    %c0_i32_1 = arith.constant 0 : i32
    return %arg0, %c0_i32, %c0_i32_0 : i32, i32, i32
  }
  func.func @transform_1(%arg0: i32) -> (i32, i32) {
    %c0_i32 = arith.constant 0 : i32
    %c0_i32_0 = arith.constant 0 : i32
    %c0_i32_1 = arith.constant 0 : i32
    return %c0_i32, %c0_i32_0 : i32, i32
  }
  func.func @transform_2(%arg0: i32) -> (i32, i32) {
    %c0_i32 = arith.constant 0 : i32
    %c0_i32_0 = arith.constant 0 : i32
    %c0_i32_1 = arith.constant 0 : i32
    return %c0_i32, %c0_i32_0 : i32, i32
  }
  func.func @transform_3(%arg0: i32) -> (i32, i32) {
    %c0_i32 = arith.constant 0 : i32
    %c0_i32_0 = arith.constant 0 : i32
    %c0_i32_1 = arith.constant 0 : i32
    return %c0_i32, %c0_i32_0 : i32, i32
  }
  func.func @transform_4(%arg0: i32) -> (i32, i32, i32) {
    %c0_i32 = arith.constant 0 : i32
    %c0_i32_0 = arith.constant 0 : i32
    %c0_i32_1 = arith.constant 0 : i32
    return %arg0, %c0_i32, %c0_i32_0 : i32, i32, i32
  }
  func.func @transform_5(%arg0: i32) -> (i32, i32, i32) {
    %c0_i32 = arith.constant 0 : i32
    %c0_i32_0 = arith.constant 0 : i32
    %c0_i32_1 = arith.constant 0 : i32
    return %arg0, %c0_i32, %c0_i32_0 : i32, i32, i32
  }
}

module attributes {stable_mosaic.version = 14 : i64} {
  func.func @_post_conv_kernel(%arg0: i32, %arg1: memref<1x1024x32xf32, #tpu.memory_space<vmem>>, %arg2: memref<1x32x1024xf32, #tpu.memory_space<vmem>>, %arg3: memref<192x32xf32, #tpu.memory_space<vmem>>, %arg4: memref<192x1xf32, #tpu.memory_space<vmem>>, %arg5: memref<1x192x1024xf32, #tpu.memory_space<vmem>>, %arg6: memref<1x32x1024xf32, #tpu.memory_space<vmem>>, %arg7: memref<1x1xf32, #tpu.memory_space<vmem>>) attributes {dimension_semantics = [#tpu.dimension_semantics<arbitrary>], iteration_bounds = array<i64: 16>, scalar_prefetch = 0 : i64, scratch_operands = 0 : i64, tpu.core_type = #tpu.core_type<tc>, window_params = [{transform_indices = @transform_0, window_bounds = array<i64: 1, 1024, 32>}, {transform_indices = @transform_1, window_bounds = array<i64: 1, 32, 1024>}, {pipeline_mode = #tpu.pipeline_mode<synchronous>, transform_indices = @transform_2, window_bounds = array<i64: 192, 32>}, {pipeline_mode = #tpu.pipeline_mode<synchronous>, transform_indices = @transform_3, window_bounds = array<i64: 192, 1>}, {transform_indices = @transform_4, window_bounds = array<i64: 1, 192, 1024>}, {transform_indices = @transform_5, window_bounds = array<i64: 1, 32, 1024>}, {pipeline_mode = #tpu.pipeline_mode<synchronous>, transform_indices = @transform_6, window_bounds = array<i64: 1, 1>}]} {
    %get3A = arith.constant 0 : index
    %get3A_0 = arith.constant 0 : index
    %get3A_1 = arith.constant 0 : index
    %get3A_2 = vector.load %arg1[%get3A, %get3A_0, %get3A_1] : memref<1x1024x32xf32, #tpu.memory_space<vmem>>, vector<1x1024x32xf32>
    %get3A_3 = vector.shape_cast %get3A_2 : vector<1x1024x32xf32> to vector<1024x32xf32>
    %transpose3A = tpu.transpose %get3A_3, [1, 0] : vector<1024x32xf32> -> vector<32x1024xf32>
    %swap3A = arith.constant 0 : index
    %swap3A_4 = arith.constant 0 : index
    %swap3A_5 = arith.constant 0 : index
    %swap3A_6 = vector.load %arg6[%swap3A, %swap3A_4, %swap3A_5] : memref<1x32x1024xf32, #tpu.memory_space<vmem>>, vector<1x32x1024xf32>
    %swap3A_7 = vector.shape_cast %swap3A_6 : vector<1x32x1024xf32> to vector<32x1024xf32>
    %swap3A_8 = vector.shape_cast %transpose3A : vector<32x1024xf32> to vector<1x32x1024xf32>
    tpu.vector_store %arg6[%swap3A, %swap3A_4, %swap3A_5], %swap3A_8 {strides = array<i32>} : memref<1x32x1024xf32, #tpu.memory_space<vmem>>, vector<1x32x1024xf32>,
    %get3A_9 = arith.constant 0 : index
    %get3A_10 = arith.constant 0 : index
    %get3A_11 = vector.load %arg3[%get3A_9, %get3A_10] : memref<192x32xf32, #tpu.memory_space<vmem>>, vector<192x32xf32>
    %dot_general3A = arith.constant dense<0.000000e+00> : vector<192x1024xf32>
    %dot_general3A_12 = tpu.matmul %get3A_11, %transpose3A, %dot_general3A {dimension_numbers = #tpu.dot_dimension_numbers<[1], [0], [0], [1], [0, 0, 1, 1], [], []>, transpose_lhs_hint = false} : vector<192x32xf32>, vector<32x1024xf32>, vector<192x1024xf32> -> vector<192x1024xf32>
    %get3A_13 = arith.constant 0 : index
    %get3A_14 = arith.constant 0 : index
    %get3A_15 = vector.load %arg4[%get3A_13, %get3A_14] : memref<192x1xf32, #tpu.memory_space<vmem>>, vector<192x1xf32>
    %add3A = vector.broadcast %get3A_15 : vector<192x1xf32> to vector<192x1024xf32>
    %add3A_16 = arith.addf %dot_general3A_12, %add3A : vector<192x1024xf32>
    %swap3A_17 = arith.constant 0 : index
    %swap3A_18 = arith.constant 0 : index
    %swap3A_19 = arith.constant 0 : index
    %swap3A_20 = vector.load %arg5[%swap3A_17, %swap3A_18, %swap3A_19] : memref<1x192x1024xf32, #tpu.memory_space<vmem>>, vector<1x192x1024xf32>
    %swap3A_21 = vector.shape_cast %swap3A_20 : vector<1x192x1024xf32> to vector<192x1024xf32>
    %swap3A_22 = vector.shape_cast %add3A_16 : vector<192x1024xf32> to vector<1x192x1024xf32>
    tpu.vector_store %arg5[%swap3A_17, %swap3A_18, %swap3A_19], %swap3A_22 {strides = array<i32>} : memref<1x192x1024xf32, #tpu.memory_space<vmem>>, vector<1x192x1024xf32>,
    %get3A_23 = arith.constant 0 : index
    %get3A_24 = arith.constant 0 : index
    %get3A_25 = arith.constant 0 : index
    %get3A_26 = vector.load %arg2[%get3A_23, %get3A_24, %get3A_25] : memref<1x32x1024xf32, #tpu.memory_space<vmem>>, vector<1x32x1024xf32>
    %get3A_27 = vector.shape_cast %get3A_26 : vector<1x32x1024xf32> to vector<32x1024xf32>
    %sub3A = arith.subf %transpose3A, %get3A_27 : vector<32x1024xf32>
    %mul3A = arith.mulf %sub3A, %sub3A : vector<32x1024xf32>
    %reduce_sum3A = vector.shape_cast %mul3A : vector<32x1024xf32> to vector<1x32x1024xf32>
    %reduce_sum3A_28 = arith.constant dense<0.000000e+00> : vector<1xf32>
    %reduce_sum3A_29 = vector.multi_reduction <add>, %reduce_sum3A, %reduce_sum3A_28 [1, 2] : vector<1x32x1024xf32> to vector<1xf32>
    %reduce_sum3A_30 = vector.shape_cast %reduce_sum3A_29 : vector<1xf32> to vector<1x1x1xf32>
    %reduce_sum3A_31 = vector.extract %reduce_sum3A_30[0, 0, 0] : f32 from vector<1x1x1xf32>
    %reshape3A = vector.broadcast %reduce_sum3A_31 : f32 to vector<1x1xf32>
    %eq3A = arith.constant 0 : i32
    %eq3A_32 = arith.cmpi eq, %arg0, %eq3A : i32
    %get3A_33 = arith.constant 0 : index
    %get3A_34 = arith.constant 0 : index
    %get3A_35 = vector.load %arg7[%get3A_33, %get3A_34] : memref<1x1xf32, #tpu.memory_space<vmem>>, vector<1x1xf32>
    %add3A_36 = arith.addf %get3A_35, %reshape3A : vector<1x1xf32>
    %select_n3A = arith.select %eq3A_32, %reshape3A, %add3A_36 : vector<1x1xf32>
    %eq3A_37 = arith.constant 15 : i32
    %eq3A_38 = arith.cmpi eq, %arg0, %eq3A_37 : i32
    %mul3A_39 = arith.constant 2.38418579E-6 : f32
    %mul3A_40 = vector.broadcast %mul3A_39 : f32 to vector<1x1xf32>
    %mul3A_41 = arith.mulf %select_n3A, %mul3A_40 : vector<1x1xf32>
    %select_n3A_42 = arith.select %eq3A_38, %mul3A_41, %select_n3A : vector<1x1xf32>
    %swap3A_43 = arith.constant 0 : index
    %swap3A_44 = arith.constant 0 : index
    %swap3A_45 = vector.load %arg7[%swap3A_43, %swap3A_44] : memref<1x1xf32, #tpu.memory_space<vmem>>, vector<1x1xf32>
    tpu.vector_store %arg7[%swap3A_43, %swap3A_44], %select_n3A_42 {strides = array<i32>} : memref<1x1xf32, #tpu.memory_space<vmem>>, vector<1x1xf32>,
    return
  }
  func.func @transform_0(%arg0: i32) -> (i32, i32, i32) {
    %c0_i32 = arith.constant 0 : i32
    %c0_i32_0 = arith.constant 0 : i32
    %c0_i32_1 = arith.constant 0 : i32
    return %arg0, %c0_i32, %c0_i32_0 : i32, i32, i32
  }
  func.func @transform_1(%arg0: i32) -> (i32, i32, i32) {
    %c0_i32 = arith.constant 0 : i32
    %c0_i32_0 = arith.constant 0 : i32
    %c0_i32_1 = arith.constant 0 : i32
    return %arg0, %c0_i32, %c0_i32_0 : i32, i32, i32
  }
  func.func @transform_2(%arg0: i32) -> (i32, i32) {
    %c0_i32 = arith.constant 0 : i32
    %c0_i32_0 = arith.constant 0 : i32
    %c0_i32_1 = arith.constant 0 : i32
    return %c0_i32, %c0_i32_0 : i32, i32
  }
  func.func @transform_3(%arg0: i32) -> (i32, i32) {
    %c0_i32 = arith.constant 0 : i32
    %c0_i32_0 = arith.constant 0 : i32
    %c0_i32_1 = arith.constant 0 : i32
    return %c0_i32, %c0_i32_0 : i32, i32
  }
  func.func @transform_4(%arg0: i32) -> (i32, i32, i32) {
    %c0_i32 = arith.constant 0 : i32
    %c0_i32_0 = arith.constant 0 : i32
    %c0_i32_1 = arith.constant 0 : i32
    return %arg0, %c0_i32, %c0_i32_0 : i32, i32, i32
  }
  func.func @transform_5(%arg0: i32) -> (i32, i32, i32) {
    %c0_i32 = arith.constant 0 : i32
    %c0_i32_0 = arith.constant 0 : i32
    %c0_i32_1 = arith.constant 0 : i32
    return %arg0, %c0_i32, %c0_i32_0 : i32, i32, i32
  }
  func.func @transform_6(%arg0: i32) -> (i32, i32) {
    %c0_i32 = arith.constant 0 : i32
    %c0_i32_0 = arith.constant 0 : i32
    %c0_i32_1 = arith.constant 0 : i32
    return %c0_i32, %c0_i32_0 : i32, i32
  }
}

</mosaic_0001>

<sc_bundles>
// kernel: _run.5.cloned.1.call-start
scs
__scs_entry_jumppad:
0x0: {  	(pc) =	sbr.rel $0x88, $3  }
0x1: {  	(tag) =	ssettag $0x0;
	lr =	simm.s32 $0x1  }
0x2: {  	[smem:$0x3F9B] =	sst lr;
	_ =	strace $0xD0000000  }
0x3: {  	_ = 	snop  }
0x4: {  	_ = 	snop  }
0x5: {  	_ = 	snop  }
0x6: {  	_ = 	snop  }
0x7: {  	_ = 	snop  }
__scs_overlays_trampoline_lowered:
0x8: {  	[smem:$0x3FAA] =	sst s0  }
0x9: {  	[smem:$0x3FAB] =	sst s1  }
0xa: {  	[smem:$0x3FAC] =	sst s2  }
0xb: {  	[smem:$0x3FAD] =	sst s3  }
0xc: {  	[smem:$0x3FAE] =	sst s4  }
0xd: {  	[smem:$0x3FAF] =	sst s5  }
0xe: {  	[smem:$0x3FB0] =	sst s6  }
0xf: {  	[smem:$0x3FB1] =	sst s7  }
0x10: {  	[smem:$0x3FB2] =	sst s8  }
0x11: {  	[smem:$0x3FB3] =	sst s9;
	s0 =	simm.s32 @!p0 $0x0  }
0x12: {  	s1 =	sld [smem:$0x3F99];
	s0 =	simm.s32 @p0 $0x1  }
0x13: {  	[smem:$0x3FB4] =	sst s0;
	s0 =	simm.s32 @!p1 $0x0  }
0x14: {  	s2 =	sld [smem:$0x3F98];
	s0 =	simm.s32 @p1 $0x1  }
0x15: {  	[smem:$0x3FB5] =	sst s0;
	s0 =	simm.s32 @!p2 $0x0  }
0x16: {  	s3 =	sld [smem:$0x3FDB];
	s0 =	simm.s32 @p2 $0x1  }
0x17: {  	s4 =	simm.s32 $0x1BF5;
	[smem:$0x3FB7] =	sst s0  }
0x18: {  	s0 =	sld [smem:$0x3F9A];
	_ =	swait.ge [sflag:s4], $0x0  }
0x19: {  	s7 =	sld [smem:$0x3F9B]  }
0x1a: {  	s8 =	sadd.s32 $0xFFFFE003, lr  }
0x1b: {  	s9 =	sadd.s32 $0xFFFFFEF7, lr;
	s5 =	simm.s32 $0xFFFFFFFF;
	p2 =	slt.u32 s8, $0xFFFFF086  }
0x1c: {  	p1 =	slt.u32 s9, $0xF7A;
	s5 =	simm.s32 @!p2 $0x0  }
0x1d: {  	s5 =	simm.s32 @p1 $0x1;
	p0 =	seq.s32 s7, s2  }
0x1e: {  	s7 =	smul.u32 @!p0 $0xF7A, s2;
	p2 =	seq.s32 @!p0 s5, $0x0  }
0x1f: {  	s9 =	smul.u32 $0xF7A, s1;
	s8 =	simm.s32 @!p0 $0x1BF5;
	p2 =	por !p2, p0  }
0x20: {  	[sflag:s8] =	ssyncset.s32 @!p0 $0xFFFFF086;
	s6 =	sadd.s32 @!p0 s3, s7;
	s7 =	simm.s32 @!p0 $0x108  }
0x21: {  	s3 =	sadd.s32 s3, s9;
	s6 =	sadd.s32 @!p0 $0x88, s6;
	s7 =	simm.s32 @p2 $0x1082  }
0x22: {  	[simem:s7], [sflag:s8] =	dma.local @!p0 [hbm:s6], $0xF7A  }
0x23: {  	s9 =	sor.u32 $0xD0000000, s2;
	s6 =	simm.s32 $0x108;
	_ =	swait.ge @!p0 [sflag:s8], $0x0  }
0x24: {  	s3 =	sadd.s32 $0x88, s3;
	s6 =	simm.s32 @!p1 $0x1082;
	[sflag:s4] =	ssyncset.s32 $0xFFFFF086  }
0x25: {  	[simem:s6], [sflag:s4] =	dma.local [hbm:s3], $0xF7A  }
0x26: {  	[smem:$0x3F9B] =	sst s1;
	(tag) =	ssettag s2;
	_ =	strace s9  }
0x27: {  	s1 =	sld [smem:$0x3FAB]  }
0x28: {  	s2 =	sld [smem:$0x3FAC]  }
0x29: {  	s4 =	sld [smem:$0x3FAE]  }
0x2a: {  	p0 =	seq.s32 s5, $0x0;
	s5 =	sld [smem:$0x3FAF]  }
0x2b: {  	s6 =	sld [smem:$0x3FB0]  }
0x2c: {  	s7 =	sld [smem:$0x3FB1]  }
0x2d: {  	s3 =	simm.s32 $0x108;
	s8 =	sld [smem:$0x3FB2]  }
0x2e: {  	s3 =	simm.s32 @!p0 $0x1082;
	s9 =	sld [smem:$0x3FB3]  }
0x2f: {  	lr =	sadd.s32 s0, s3;
	s0 =	sld [smem:$0x3FAA]  }
0x30: {  	s3 =	sld [smem:$0x3FAD]  }
0x31: {  	[smem:$0x3FB6] =	sst s10  }
0x32: {  	s10 =	sld [smem:$0x3FB4];
	_ =	sdelay $0x3  }
0x33: {  	p0 =	seq.s32 s10, $0x1;
	s10 =	sld [smem:$0x3FB6];
	_ =	sdelay $0x3  }
0x34: {  	[smem:$0x3FB6] =	sst s10  }
0x35: {  	s10 =	sld [smem:$0x3FB5];
	_ =	sdelay $0x3  }
0x36: {  	p1 =	seq.s32 s10, $0x1;
	s10 =	sld [smem:$0x3FB6];
	_ =	sdelay $0x3  }
0x37: {  	[smem:$0x3FB6] =	sst s10  }
0x38: {  	s10 =	sld [smem:$0x3FB7]  }
0x39: {  	_ = 	snop;
	(pc) =	sbr.ind lr, $3  }
0x3a: {  	_ = 	snop  }
0x3b: {  	_ = 	snop  }
0x3c: {  	p2 =	seq.s32 s10, $0x1;
	s10 =	sld [smem:$0x3FB6]  }
0x3d: {  	_ =	shalt  }
0x3e: {  	_ =	shalt  }
0x3f: {  	_ =	shalt  }
0x40: {  	_ =	shalt  }
0x41: {  	_ =	shalt  }
0x42: {  	_ =	shalt  }
0x43: {  	_ =	shalt  }
0x44: {  	_ =	shalt  }
0x45: {  	_ =	shalt  }
0x46: {  	_ =	shalt  }
0x47: {  	_ =	shalt  }
0x48: {  	_ =	shalt  }
0x49: {  	_ =	shalt  }
0x4a: {  	_ =	shalt  }
0x4b: {  	_ =	shalt  }
0x4c: {  	_ =	shalt  }
0x4d: {  	_ =	shalt  }
0x4e: {  	_ =	shalt  }
0x4f: {  	_ =	shalt  }
0x50: {  	_ =	shalt  }
0x51: {  	_ =	shalt  }
0x52: {  	_ =	shalt  }
0x53: {  	_ =	shalt  }
0x54: {  	_ =	shalt  }
0x55: {  	_ =	shalt  }
0x56: {  	_ =	shalt  }
0x57: {  	_ =	shalt  }
0x58: {  	_ =	shalt  }
0x59: {  	_ =	shalt  }
0x5a: {  	_ =	shalt  }
0x5b: {  	_ =	shalt  }
0x5c: {  	_ =	shalt  }
0x5d: {  	_ =	shalt  }
0x5e: {  	_ =	shalt  }
0x5f: {  	_ =	shalt  }
0x60: {  	_ =	shalt  }
0x61: {  	_ =	shalt  }
0x62: {  	_ =	shalt  }
0x63: {  	_ =	shalt  }
0x64: {  	_ =	shalt  }
0x65: {  	_ =	shalt  }
0x66: {  	_ =	shalt  }
0x67: {  	_ =	shalt  }
0x68: {  	_ =	shalt  }
0x69: {  	_ =	shalt  }
0x6a: {  	_ =	shalt  }
0x6b: {  	_ =	shalt  }
0x6c: {  	_ =	shalt  }
0x6d: {  	_ =	shalt  }
0x6e: {  	_ =	shalt  }
0x6f: {  	_ =	shalt  }
0x70: {  	_ =	shalt  }
0x71: {  	_ =	shalt  }
0x72: {  	_ =	shalt  }
0x73: {  	_ =	shalt  }
0x74: {  	_ =	shalt  }
0x75: {  	_ =	shalt  }
0x76: {  	_ =	shalt  }
0x77: {  	_ =	shalt  }
0x78: {  	_ =	shalt  }
0x79: {  	_ =	shalt  }
0x7a: {  	_ =	shalt  }
0x7b: {  	_ =	shalt  }
0x7c: {  	_ =	shalt  }
0x7d: {  	_ =	shalt  }
0x7e: {  	_ =	shalt  }
0x7f: {  	_ =	shalt  }
0x80: {  	_ =	shalt  }
0x81: {  	_ =	shalt  }
0x82: {  	_ =	shalt  }
0x83: {  	_ =	shalt  }
0x84: {  	_ =	shalt  }
0x85: {  	_ =	shalt  }
0x86: {  	_ =	shalt  }
0x87: {  	_ =	shalt  }
.Lfunc_end0:
.L_simem_size_0:
called_computation_lowered:
.L_overlay_start_0:
0x88: {  	s2 =	sld [smem:$0x3FD9]  }
0x89: {  	s3 =	sld [smem:$0x3FFE];
	_ =	sdelay $0x1  }
0x8a: {  	s1 =	srdreg.scid  }
0x8b: {  	s0 =	sand.u32 $0x1, s1  }
0x8c: {  	s14 =	sshll.u32 s0, $0xA;
	s2 =	sadd.s32 s3, s2  }
0x8d: {  	s2 =	sadd.s32 s2, s14  }
0x8e: {  	[smem:$0x3FC2] =	sst s2  }
0x8f: {  	_ = 	snop  }
0x90: {  	s2 =	sld [smem:$0x3FD0];
	_ =	sdelay $0x2  }
0x91: {  	s15 =	simm.s32 $0xA;
	s4 =	simm.s32 $0x10  }
0x92: {  	[smem:s4], [sflag:s15] =	dma.local [hbm:s2], $0x1  }
0x93: {  	_ =	swait.eq [sflag:s15], $0x1  }
0x94: {  	[sflag:s15] =	ssyncset.done $0x0  }
0x95: {  	s16 =	sld [smem:$0x10];
	[sflag:s15] =	ssyncadd.s32 $0xFFFFFFFF  }
0x96: {  	s17 =	sld [smem:$0x13];
	(tm) =	ssettm $0x1  }
0x97: {  	s18 =	sld [smem:$0x3FFB];
	_ =	sdelay $0x3  }
0x98: {  	_ =	strace s18  }
0x99: {  	s4 =	sld [smem:$0x3FFC];
	_ =	sdelay $0x3  }
0x9a: {  	_ =	strace s4  }
0x9b: {  	s4 =	sld [smem:$0x3FFD];
	_ =	sdelay $0x3  }
0x9c: {  	_ =	strace s4  }
0x9d: {  	_ =	strace $0x8FFFFFFF  }
0x9e: {  	s19 =	sld [smem:$0x3FDB];
	_ =	sdelay $0x1  }
0x9f: {  	s5 =	simm.s32 $_scs_section_size  }
0xa0: {  	s6 =	simm.s32 $_size__tile_overlayer_lowered;
	s7 =	simm.s32 $_tile_overlayer_lowered  }
0xa1: {  	s22 =	simm.s32 $0x1BFF;
	s21 =	sshll.u32 s7, $0x1;
	s4 =	sadd.s32 s5, s19  }
0xa2: {  	s8 =	simm.s32 $0x0;
	s20 =	sshll.u32 s6, $0x1;
	s6 =	sadd.s32 s21, s4  }
0xa3: {  	[timem:s8], [sflag:s22] =	dma.local [hbm:s6], s20  }
0xa4: {  	_ =	swait.ge [sflag:s22], s20  }
0xa5: {  	s5 =	ssub.s32 $0x0, s20;
	[sflag:s22] =	ssyncset.done $0x0  }
0xa6: {  	[sflag:s22] =	ssyncadd.s32 s5;
	_ =	sdelay $0x1  }
0xa7: {  	s23 =	simm.s32 $0x1B8B  }
0xa8: {  	_ =	swait.ge [sflag:s23], $0x1  }
0xa9: {  	[sflag:s23] =	ssyncset.done $0x0  }
0xaa: {  	s25 =	simm.s32 $0x1B8E;
	s24 =	sld [smem:$0x3FFE];
	[sflag:s23] =	ssyncadd.s32 $0xFFFFFFFF  }
0xab: {  	s26 =	simm.s32 $execute0_lowered;
	[smem:$0x3FD2] =	sst s25  }
0xac: {  	s6 =	sshll.u32 s26, $0x1;
	_ =	strace $0x80000046;
	[dreg:$0x1] =	wrdreg $0xFFFFFFFF  }
0xad: {  	s28 =	simm.s32 $_size_execute0_lowered;
	s4 =	sadd.s32 s4, s6;
	[dreg:$0x0] =	wrdreg $0x0  }
0xae: {  	s6 =	sshll.u32 s28, $0x1;
	[dreg:$0x2] =	wrdreg s4  }
0xaf: {  	[dreg:$0x3] =	wrdreg s6  }
0xb0: {  	[dreg:$0x4] =	wrdreg $0xC0  }
0xb1: {  	_ =	task [dreg:s8], $0x5FFFF  }
0xb2: {  	[dreg:$0x1] =	wrdreg $0xFFFFFFFF  }
0xb3: {  	[dreg:$0x0] =	wrdreg $0x60  }
0xb4: {  	[dreg:$0x2] =	wrdreg s16  }
0xb5: {  	[dreg:$0x3] =	wrdreg s24  }
0xb6: {  	[dreg:$0x4] =	wrdreg s17  }
0xb7: {  	[dreg:$0x5] =	wrdreg $0x9  }
0xb8: {  	_ =	task.clear_ibuf [dreg:s8], $0x6FFFF;
	_ =	strace $0x90000046  }
0xb9: {  	s29 =	simm.s32 $0x9;
	_ =	strace $0x80000048  }
0xba: {  	_ =	swait.ge [sflag:s29], $0x1  }
0xbb: {  	[sflag:s29] =	ssyncadd.s32 $0xFFFFFFFF  }
0xbc: {  	_ =	strace $0x90000048  }
0xbd: {  	_ =	sfence  }
0xbe: {  	s30 =	sld [smem:$0x0];
	_ =	sdelay $0x2  }
0xbf: {  	s31 =	sshll.u32 s1, $0xD;
	s1 =	sshrl.u32 s1, $0x2  }
0xc0: {  	s3 =	sand.u32 $0x4000, s31;
	s1 =	sadd.s32 s1, s30  }
0xc1: {  	s0 =	sor.u32 s3, s0;
	s1 =	sshll.u32 s1, $0x11  }
0xc2: {  	s0 =	sor.u32 s1, s0  }
0xc3: {  	s0 =	sadd.s32 $0x8F2B, s0  }
0xc4: {  	[sflag:s0] =	ssyncadd.remote.s32 $0x1  }
0xc5: {  	_ =	sfence.sel $0xFFFF  }
0xc6: {  	[dreg:$0x0] =	wrdreg $0xFFFFFFFF;
	(pc) =	sbr.abs _section_cstart, $3  }
0xc7: {  	[dreg:$0x1] =	wrdreg $0xFFFFFFFF  }
0xc8: {  	_ =	task.clear_ibuf [dreg:s8], $0x2FFFF;
	_ =	strace $0x9FFFFFFF  }
0xc9: {  	(tm) =	ssettm $0x7FFFFFFF  }
tec
execute0_lowered:
.L_overlay_start_1:
0x0: {  	(tag) =	ssettag $0x1  }
0x1: {  	s1 =	rddreg [dreg:$0x0];
	s2 =	srdreg.scid  }
0x2: {  	s4 =	rddreg [dreg:$0x1];
	s0 =	stileid.u32;
	s15 =	sand.u32 $0x1, s2  }
0x3: {  	s14 =	rddreg [dreg:$0x2];
	s5 =	sshll.u32 s0, $0xA;
	s6 =	sshll.u32 s15, $0x9  }
0x4: {  	s3 =	simm.s32 $0x0;
	s2 =	rddreg [dreg:$0x3];
	s13 =	sor.u32 s6, s5  }
0x5: {  	[smem:$0x7FF] =	sst s3;
	s16 =	sadd.s32 $0x1000, s4;
	s29 =	sshrl.u32 s13, $0x3  }
0x6: {  	s4 =	simm.s32 $0x2;
	_ =	strace $0x80000047;
	s5 =	sadd.s32 s16, s29  }
0x7: {  	[tilespmem:s3], [sflag:$0x2] =	stream.linear.gather [hbm4b:s5+s3], $0x80, $0x38;
	[tilespmem:$0x1080] =	vst v63  }
0x8: {  	_ =	swait.ge [sflag:s4], $0x80  }
0x9: {  	[sflag:s4] =	ssyncset.done $0x0  }
0xa: {  	s7 =	simm.s32 $0x1;
	s6 =	simm.s32 $0x80;
	[sflag:s4] =	ssyncadd.s32 $0xFFFFFF80  }
0xb: {  	[tilespmem:s6], [sflag:$0x1] =	stream.indirect.gather [hbm4b:s1+s6], $0x20, s3, s6, $0xb8;
	[tilespmem:$0x1080] =	vst v63  }
0xc: {  	_ =	swait.ge [sflag:s7], $0x1000  }
0xd: {  	s8 =	sshll.u32 s13, $0x2;
	[sflag:s7] =	ssyncset.done $0x0  }
0xe: {  	s8 =	sadd.s32 s14, s8;
	[sflag:s7] =	ssyncadd.s32 $0xFFFFF000  }
0xf: {  	[hbm4b:s8+s3] =	stream.linear.scatter [tilespmem:s6], [sflag:$0x2], $0x1000, $0x38;
	[tilespmem:$0x1080] =	vst v63  }
0x10: {  	s10 =	sor.u32 $0x80, s13;
	_ =	swait.ge [sflag:s4], $0x1000  }
0x11: {  	s9 =	sshrl.u32 s10, $0x3;
	[sflag:s4] =	ssyncset.done $0x0  }
0x12: {  	s9 =	sadd.s32 s16, s9;
	[sflag:s4] =	ssyncadd.s32 $0xFFFFF000  }
0x13: {  	[tilespmem:s3], [sflag:$0x2] =	stream.linear.gather [hbm4b:s9+s3], $0x80, $0x38;
	[tilespmem:$0x1080] =	vst v63  }
0x14: {  	_ =	swait.ge [sflag:s4], $0x80  }
0x15: {  	[sflag:s4] =	ssyncset.done $0x0  }
0x16: {  	[sflag:s4] =	ssyncadd.s32 $0xFFFFFF80  }
0x17: {  	[tilespmem:s6], [sflag:$0x1] =	stream.indirect.gather [hbm4b:s1+s6], $0x20, s3, s6, $0xb8;
	[tilespmem:$0x1080] =	vst v63  }
0x18: {  	_ =	swait.ge [sflag:s7], $0x1000  }
0x19: {  	s10 =	sshll.u32 s10, $0x2;
	[sflag:s7] =	ssyncset.done $0x0  }
0x1a: {  	s10 =	sadd.s32 s14, s10;
	[sflag:s7] =	ssyncadd.s32 $0xFFFFF000  }
0x1b: {  	[hbm4b:s10+s3] =	stream.linear.scatter [tilespmem:s6], [sflag:$0x2], $0x1000, $0x38;
	[tilespmem:$0x1080] =	vst v63  }
0x1c: {  	s12 =	sor.u32 $0x100, s13;
	_ =	swait.ge [sflag:s4], $0x1000  }
0x1d: {  	s11 =	sshrl.u32 s12, $0x3;
	[sflag:s4] =	ssyncset.done $0x0  }
0x1e: {  	s11 =	sadd.s32 s16, s11;
	[sflag:s4] =	ssyncadd.s32 $0xFFFFF000  }
0x1f: {  	[tilespmem:s3], [sflag:$0x2] =	stream.linear.gather [hbm4b:s11+s3], $0x80, $0x38;
	[tilespmem:$0x1080] =	vst v63  }
0x20: {  	_ =	swait.ge [sflag:s4], $0x80  }
0x21: {  	[sflag:s4] =	ssyncset.done $0x0  }
0x22: {  	[sflag:s4] =	ssyncadd.s32 $0xFFFFFF80  }
0x23: {  	[tilespmem:s6], [sflag:$0x1] =	stream.indirect.gather [hbm4b:s1+s6], $0x20, s3, s6, $0xb8;
	[tilespmem:$0x1080] =	vst v63  }
0x24: {  	_ =	swait.ge [sflag:s7], $0x1000  }
0x25: {  	s12 =	sshll.u32 s12, $0x2;
	[sflag:s7] =	ssyncset.done $0x0  }
0x26: {  	s12 =	sadd.s32 s14, s12;
	[sflag:s7] =	ssyncadd.s32 $0xFFFFF000  }
0x27: {  	[hbm4b:s12+s3] =	stream.linear.scatter [tilespmem:s6], [sflag:$0x2], $0x1000, $0x38;
	[tilespmem:$0x1080] =	vst v63  }
0x28: {  	s17 =	sor.u32 $0x180, s13;
	_ =	swait.ge [sflag:s4], $0x1000  }
0x29: {  	s13 =	sshrl.u32 s17, $0x3;
	[sflag:s4] =	ssyncset.done $0x0  }
0x2a: {  	s15 =	ssub.s32 $0x2, s15;
	s13 =	sadd.s32 s16, s13;
	[sflag:s4] =	ssyncadd.s32 $0xFFFFF000  }
0x2b: {  	[tilespmem:s3], [sflag:$0x2] =	stream.linear.gather [hbm4b:s13+s3], $0x80, $0x38;
	[tilespmem:$0x1080] =	vst v63  }
0x2c: {  	s30 =	sshrl.u32 s15, $0x1;
	_ =	swait.ge [sflag:s4], $0x80  }
0x2d: {  	s15 =	ssub.s32 s15, s30;
	[sflag:s4] =	ssyncset.done $0x0  }
0x2e: {  	s15 =	smax.u32 s15, $0x1;
	[sflag:s4] =	ssyncadd.s32 $0xFFFFFF80  }
0x2f: {  	[tilespmem:s6], [sflag:$0x1] =	stream.indirect.gather [hbm4b:s1+s6], $0x20, s3, s6, $0xb8;
	[tilespmem:$0x1080] =	vst v63  }
0x30: {  	p0 =	sne.s32 s15, $0x1;
	_ =	swait.ge [sflag:s7], $0x1000  }
.Ltmp0:
0x31: {  	s31 =	sshll.u32 s17, $0x2;
	[sflag:s7] =	ssyncset.done $0x0;
	(pc) =	sbr.rel @!p0 .LBB2_2-.Ltmp0, $4  }
0x32: {  	s14 =	sadd.s32 s14, s31;
	[sflag:s7] =	ssyncadd.s32 $0xFFFFF000  }
0x33: {  	[hbm4b:s14+s3] =	stream.linear.scatter [tilespmem:s6], [sflag:$0x2], $0x1000, $0x38;
	[tilespmem:$0x1080] =	vst v63  }
0x34: {  	_ =	swait.ge [sflag:s4], $0x1000  }
0x35: {  	s15 =	sadd.s32 $0xFFFFFFFF, s15;
	[sflag:s4] =	ssyncset.done $0x0  }
.LBB2_1:
0x36: {  	p0 =	sne.s32 s15, $0x1;
	s15 =	sadd.s32 $0xFFFFFFFF, s15;
	[sflag:s4] =	ssyncadd.s32 $0xFFFFF000  }
0x37: {  	[tilespmem:s3], [sflag:$0x2] =	stream.linear.gather [hbm4b:s5+s3], $0x80, $0x38;
	[tilespmem:$0x1080] =	vst v63  }
0x38: {  	_ =	swait.ge [sflag:s4], $0x80  }
0x39: {  	[sflag:s4] =	ssyncset.done $0x0  }
0x3a: {  	[sflag:s4] =	ssyncadd.s32 $0xFFFFFF80  }
0x3b: {  	[tilespmem:s6], [sflag:$0x1] =	stream.indirect.gather [hbm4b:s1+s6], $0x20, s3, s6, $0xb8;
	[tilespmem:$0x1080] =	vst v63  }
0x3c: {  	_ =	swait.ge [sflag:s7], $0x1000  }
0x3d: {  	[sflag:s7] =	ssyncset.done $0x0  }
0x3e: {  	[sflag:s7] =	ssyncadd.s32 $0xFFFFF000  }
0x3f: {  	[hbm4b:s8+s3] =	stream.linear.scatter [tilespmem:s6], [sflag:$0x2], $0x1000, $0x38;
	[tilespmem:$0x1080] =	vst v63  }
0x40: {  	_ =	swait.ge [sflag:s4], $0x1000  }
0x41: {  	[sflag:s4] =	ssyncset.done $0x0  }
0x42: {  	[sflag:s4] =	ssyncadd.s32 $0xFFFFF000  }
0x43: {  	[tilespmem:s3], [sflag:$0x2] =	stream.linear.gather [hbm4b:s9+s3], $0x80, $0x38;
	[tilespmem:$0x1080] =	vst v63  }
0x44: {  	_ =	swait.ge [sflag:s4], $0x80  }
0x45: {  	[sflag:s4] =	ssyncset.done $0x0  }
0x46: {  	[sflag:s4] =	ssyncadd.s32 $0xFFFFFF80  }
0x47: {  	[tilespmem:s6], [sflag:$0x1] =	stream.indirect.gather [hbm4b:s1+s6], $0x20, s3, s6, $0xb8;
	[tilespmem:$0x1080] =	vst v63  }
0x48: {  	_ =	swait.ge [sflag:s7], $0x1000  }
0x49: {  	[sflag:s7] =	ssyncset.done $0x0  }
0x4a: {  	[sflag:s7] =	ssyncadd.s32 $0xFFFFF000  }
0x4b: {  	[hbm4b:s10+s3] =	stream.linear.scatter [tilespmem:s6], [sflag:$0x2], $0x1000, $0x38;
	[tilespmem:$0x1080] =	vst v63  }
0x4c: {  	_ =	swait.ge [sflag:s4], $0x1000  }
0x4d: {  	[sflag:s4] =	ssyncset.done $0x0  }
0x4e: {  	[sflag:s4] =	ssyncadd.s32 $0xFFFFF000  }
0x4f: {  	[tilespmem:s3], [sflag:$0x2] =	stream.linear.gather [hbm4b:s11+s3], $0x80, $0x38;
	[tilespmem:$0x1080] =	vst v63  }
0x50: {  	_ =	swait.ge [sflag:s4], $0x80  }
0x51: {  	[sflag:s4] =	ssyncset.done $0x0  }
0x52: {  	[sflag:s4] =	ssyncadd.s32 $0xFFFFFF80  }
0x53: {  	[tilespmem:s6], [sflag:$0x1] =	stream.indirect.gather [hbm4b:s1+s6], $0x20, s3, s6, $0xb8;
	[tilespmem:$0x1080] =	vst v63  }
0x54: {  	_ =	swait.ge [sflag:s7], $0x1000  }
0x55: {  	[sflag:s7] =	ssyncset.done $0x0  }
0x56: {  	[sflag:s7] =	ssyncadd.s32 $0xFFFFF000  }
0x57: {  	[hbm4b:s12+s3] =	stream.linear.scatter [tilespmem:s6], [sflag:$0x2], $0x1000, $0x38;
	[tilespmem:$0x1080] =	vst v63  }
0x58: {  	_ =	swait.ge [sflag:s4], $0x1000  }
0x59: {  	[sflag:s4] =	ssyncset.done $0x0  }
0x5a: {  	[sflag:s4] =	ssyncadd.s32 $0xFFFFF000  }
0x5b: {  	[tilespmem:s3], [sflag:$0x2] =	stream.linear.gather [hbm4b:s13+s3], $0x80, $0x38;
	[tilespmem:$0x1080] =	vst v63  }
0x5c: {  	_ =	swait.ge [sflag:s4], $0x80  }
0x5d: {  	[sflag:s4] =	ssyncset.done $0x0  }
0x5e: {  	[sflag:s4] =	ssyncadd.s32 $0xFFFFFF80  }
0x5f: {  	[tilespmem:s6], [sflag:$0x1] =	stream.indirect.gather [hbm4b:s1+s6], $0x20, s3, s6, $0xb8;
	[tilespmem:$0x1080] =	vst v63  }
0x60: {  	_ =	swait.ge [sflag:s7], $0x1000  }
.Ltmp1:
0x61: {  	[sflag:s7] =	ssyncset.done $0x0;
	(pc) =	sbr.rel @p0 .LBB2_1-.Ltmp1, $4  }
0x62: {  	[sflag:s7] =	ssyncadd.s32 $0xFFFFF000  }
0x63: {  	[hbm4b:s14+s3] =	stream.linear.scatter [tilespmem:s6], [sflag:$0x2], $0x1000, $0x38;
	[tilespmem:$0x1080] =	vst v63  }
0x64: {  	_ =	swait.ge [sflag:s4], $0x1000  }
0x65: {  	[sflag:s4] =	ssyncset.done $0x0  }
.LBB2_2:
0x66: {  	[sflag:s4] =	ssyncadd.s32 $0xFFFFF000  }
0x67: {  	_ =	sfence.sel $0x180000  }
0x68: {  	[bflag:$0x0] =	sbarrier.arrive $0xFFFF  }
0x69: {  	p0 =	sne.s32 s0, $0x0;
	_ =	strace $0x90000047  }
0x6a: {  	s0 =	sadd.s32 @!p0 $0x100000, s2;
	[bflag:$0x2] =	sbarrier.arrive $0xFFFF  }
0x6b: {  	[sflag:s0] =	ssyncadd.tile.s32 @!p0 $0x1;
	_ =	shalt  }
.Lfunc_end2:
_tile_overlayer_lowered:
.L_overlay_start_2:
0x6c: {  	(tag) =	ssettag $0x2  }
0x6d: {  	s0 =	rddreg [dreg:$0x0];
	s2 =	stileid.u32  }
0x6e: {  	s1 =	rddreg [dreg:$0x1];
	p0 =	sne.s32 s2, $0x0  }
0x6f: {  	s3 =	rddreg [dreg:$0x2];
	[bflag:$0x3] =	sbarrier.arrive $0xFFFF;
	s2 =	simm.s32 @!p0 $0x1C02  }
0x70: {  	[timem:s3], [sflag:s2] =	dma.local @!p0 [hbm:s0], s1  }
0x71: {  	s0 =	simm.s32 @!p0 $0x2  }
0x72: {  	_ =	swait.ge @!p0 [sflag:s0], s1  }
0x73: {  	s1 =	ssub.s32 @!p0 $0x0, s1;
	[sflag:s0] =	ssyncset.done @!p0 $0x0  }
0x74: {  	[sflag:s0] =	ssyncadd.s32 @!p0 s1  }
0x75: {  	[bflag:$0x3] =	sbarrier.arrive $0xFFFF  }
0x76: {  	_ =	shalt  }

</sc_bundles>
